<compile_context>
chip_gen: v7x
topology: tpu7x:2x2x1
jax: 0.10.2.dev20260603
libtpu: 0.0.44.dev20260713+nightly
codegen_flags: <defaults>
</compile_context>

<pallas_src>
import functools

import jax
import jax.numpy as jnp
from jax import lax
from jax.experimental import pallas as pl
from jax.experimental.pallas import tpu as pltpu
from jax.experimental.pallas import tpu_sc as plsc

MODEL_DIM = 768
VOCAB = 16000
F_SP = 4000
F_MIN = 2000
HIGH_T = 0.7
MED_T = 0.3
S = 2048

NC = 2
NS = 16
NW = NC * NS
BPW = S // NW
NCH = 128

VT = 256
N_VT = (VOCAB + VT - 1) // VT
RT = 512
N_RT = S // RT
F_SP_T = 1024
F_MIN_T = 512
N_FT = 4

def _mk_mesh():
    return plsc.VectorSubcoreMesh(core_axis_name="c", subcore_axis_name="s")


def _route_body(att_hbm, perm_hbm, inv_hbm, bounds_hbm,
                attv, ta, cls, permv, invv, bndv):
    wid = lax.axis_index("s") * NC + lax.axis_index("c")

    @pl.when(wid == 0)
    def _():
        pltpu.sync_copy(att_hbm, attv)

        def chunk_sum(c, mx):
            acc = attv[0, pl.ds(c * 16, 16)]
            for r in range(1, 16):
                acc = acc + attv[r, pl.ds(c * 16, 16)]
            ta[pl.ds(c * 16, 16)] = acc
            return jnp.maximum(mx, acc)

        mxv = lax.fori_loop(0, NCH, chunk_sum,
                            jnp.full((16,), -jnp.inf, jnp.float32))
        mx = jnp.max(mxv)

        def cls_chunk(c, carry):
            n0, n1 = carry
            t = ta[pl.ds(c * 16, 16)]
            norm = t / (mx + 1e-8)
            k = jnp.where(norm >= HIGH_T, 2,
                          jnp.where(norm >= MED_T, 1, 0)).astype(jnp.int32)
            cls[pl.ds(c * 16, 16)] = k
            n0 = n0 + jnp.sum((k == 0).astype(jnp.int32))
            n1 = n1 + jnp.sum((k == 1).astype(jnp.int32))
            return (n0, n1)

        n0, n1 = lax.fori_loop(0, NCH, cls_chunk, (0, 0))

        def pos_chunk(c, carry):
            b0, b1, b2 = carry
            k = cls[pl.ds(c * 16, 16)]
            m0 = (k == 0).astype(jnp.int32)
            m1 = (k == 1).astype(jnp.int32)
            m2 = (k == 2).astype(jnp.int32)
            c0 = plsc.cumsum(m0)
            c1 = plsc.cumsum(m1)
            c2 = plsc.cumsum(m2)
            pos = ((b0 + c0 - 1) * m0 + (b1 + c1 - 1) * m1
                   + (b2 + c2 - 1) * m2)
            invv[pl.ds(c * 16, 16)] = pos
            tok = jnp.arange(16, dtype=jnp.int32) + c * 16
            plsc.store_scatter(permv, [pos], tok)
            return (b0 + jnp.sum(m0), b1 + jnp.sum(m1), b2 + jnp.sum(m2))

        lax.fori_loop(0, NCH, pos_chunk, (0, n0, n0 + n1))

        i16 = jnp.arange(16, dtype=jnp.int32)
        bndv[...] = jnp.where(i16 == 0, n0,
                              jnp.where(i16 == 1, n0 + n1, 0))
        pltpu.sync_copy(permv, perm_hbm)
        pltpu.sync_copy(invv, inv_hbm)
        pltpu.sync_copy(bndv, bounds_hbm)


def _route(att_t):
    k = functools.partial(
        pl.kernel,
        mesh=_mk_mesh(),
        out_type=[
            jax.ShapeDtypeStruct((S,), jnp.int32),
            jax.ShapeDtypeStruct((S,), jnp.int32),
            jax.ShapeDtypeStruct((16,), jnp.int32),
        ],
        scratch_types=[
            pltpu.VMEM((16, S), jnp.float32),
            pltpu.VMEM((S,), jnp.float32),
            pltpu.VMEM((S,), jnp.int32),
            pltpu.VMEM((S,), jnp.int32),
            pltpu.VMEM((S,), jnp.int32),
            pltpu.VMEM((16,), jnp.int32),
        ],
        compiler_params=pltpu.CompilerParams(needs_layout_passes=False),
    )(_route_body)
    return k(att_t)


def _gather_x_body(x_hbm, perm_hbm, out_hbm, idx_v, rows_v, sem):
    wid = lax.axis_index("s") * NC + lax.axis_index("c")
    base = wid * BPW
    pltpu.sync_copy(perm_hbm.at[pl.ds(base, BPW)], idx_v)
    pltpu.async_copy(x_hbm.at[idx_v], rows_v, sem).wait()
    pltpu.sync_copy(rows_v, out_hbm.at[pl.ds(base, BPW)])


def _gather_x(x, perm):
    k = functools.partial(
        pl.kernel,
        mesh=_mk_mesh(),
        out_type=jax.ShapeDtypeStruct((S, MODEL_DIM), jnp.float32),
        scratch_types=[
            pltpu.VMEM((BPW,), jnp.int32),
            pltpu.VMEM((BPW, MODEL_DIM), jnp.float32),
            pltpu.SemaphoreType.DMA,
        ],
        compiler_params=pltpu.CompilerParams(needs_layout_passes=False),
    )(_gather_x_body)
    return k(x, perm)


SCAT_K = 8


def _combine_body(src_hbm, inv_hbm, out_hbm, idx_v, rows_v, sem):
    wid = lax.axis_index("s") * NC + lax.axis_index("c")
    base = wid * BPW
    pltpu.sync_copy(inv_hbm.at[pl.ds(base, BPW)], idx_v)

    def step(g, _):
        pltpu.async_copy(src_hbm.at[idx_v.at[pl.ds(g * SCAT_K, SCAT_K)]],
                         rows_v, sem).wait()
        pltpu.sync_copy(rows_v, out_hbm.at[pl.ds(base + g * SCAT_K, SCAT_K)])
        return 0

    lax.fori_loop(0, BPW // SCAT_K, step, 0)


def _combine(sorted_out, inv):
    k = functools.partial(
        pl.kernel,
        mesh=_mk_mesh(),
        out_type=jax.ShapeDtypeStruct((S, VOCAB), jnp.float32),
        scratch_types=[
            pltpu.VMEM((BPW,), jnp.int32),
            pltpu.VMEM((SCAT_K, VOCAB), jnp.float32),
            pltpu.SemaphoreType.DMA,
        ],
        compiler_params=pltpu.CompilerParams(needs_layout_passes=False),
    )(_combine_body)
    return k(sorted_out, inv)


def _stage1_body(x_ref, wsp1_ref, bsp1_ref, wmin_ref, bmin_ref,
                 xbf_ref, h1_ref, mf_ref):
    xb = x_ref[...].astype(jnp.bfloat16)
    xbf_ref[...] = xb
    a1 = jnp.dot(xb, wsp1_ref[...].astype(jnp.bfloat16),
                 preferred_element_type=jnp.float32) + bsp1_ref[...]
    h1 = 0.5 * a1 * (1.0 + jax.lax.erf(a1 / jnp.sqrt(2.0).astype(jnp.float32)))
    h1_ref[...] = h1.astype(jnp.bfloat16)
    a0 = jnp.dot(xb, wmin_ref[...].astype(jnp.bfloat16),
                 preferred_element_type=jnp.float32) + bmin_ref[...]
    mf_ref[...] = a0.astype(jnp.bfloat16)


def _proj_body(bnd_ref, xbf_ref, h1_ref, mf_ref, wf_ref, ws2_ref,
               bs2_ref, we_ref, be_ref, out_ref, wf_s, ws2_s, we_s):
    n0 = bnd_ref[0]
    n01 = bnd_ref[1]

    @pl.when(n01 < S)
    def _():
        wf_s[...] = wf_ref[...].astype(jnp.bfloat16)

    @pl.when(n01 > n0)
    def _():
        ws2_s[...] = ws2_ref[...].astype(jnp.bfloat16)

    @pl.when(n0 > 0)
    def _():
        we_s[...] = we_ref[...].astype(jnp.bfloat16)

    out_ref[...] = jnp.zeros((S, VT), jnp.float32)

    iota_r = lax.broadcasted_iota(jnp.int32, (RT, 1), 0)

    def min_tile(i, _):
        rs = pl.ds(i * RT, RT)
        pos = iota_r + i * RT
        mn = jnp.dot(mf_ref[rs, :], we_s[...],
                     preferred_element_type=jnp.float32) + be_ref[...]
        out_ref[rs, :] += jnp.where(pos < n0, mn, 0.0)
        return 0

    def sp_tile(i, _):
        rs = pl.ds(i * RT, RT)
        pos = iota_r + i * RT
        sp = jnp.dot(h1_ref[rs, :], ws2_s[...],
                     preferred_element_type=jnp.float32) + bs2_ref[...]
        out_ref[rs, :] += jnp.where((pos >= n0) & (pos < n01), sp, 0.0)
        return 0

    def full_tile(i, _):
        rs = pl.ds(i * RT, RT)
        pos = iota_r + i * RT
        fl = jnp.dot(xbf_ref[rs, :], wf_s[...],
                     preferred_element_type=jnp.float32)
        out_ref[rs, :] += jnp.where(pos >= n01, fl, 0.0)
        return 0

    lax.fori_loop(0, (n0 + RT - 1) // RT, min_tile, 0)
    lax.fori_loop(n0 // RT, (n01 + RT - 1) // RT, sp_tile, 0)
    lax.fori_loop(n01 // RT, N_RT, full_tile, 0)


def kernel(hidden_states, attention_weights, W_full, W_sp1, b_sp1, W_sp2, b_sp2,
           W_min, b_min, W_exp, b_exp):
    x = hidden_states.reshape(S, MODEL_DIM)
    att_t = attention_weights.reshape(S, -1).T

    perm, inv, bounds = _route(att_t)
    xs = _gather_x(x, perm)

    xbf, h1, mf = pl.pallas_call(
        _stage1_body,
        grid=(N_FT,),
        in_specs=[
            pl.BlockSpec((S, MODEL_DIM), lambda j: (0, 0)),
            pl.BlockSpec((MODEL_DIM, F_SP_T), lambda j: (0, j)),
            pl.BlockSpec((1, F_SP_T), lambda j: (0, j)),
            pl.BlockSpec((MODEL_DIM, F_MIN_T), lambda j: (0, j)),
            pl.BlockSpec((1, F_MIN_T), lambda j: (0, j)),
        ],
        out_specs=[
            pl.BlockSpec((S, MODEL_DIM), lambda j: (0, 0)),
            pl.BlockSpec((S, F_SP_T), lambda j: (0, j)),
            pl.BlockSpec((S, F_MIN_T), lambda j: (0, j)),
        ],
        out_shape=[
            jax.ShapeDtypeStruct((S, MODEL_DIM), jnp.bfloat16),
            jax.ShapeDtypeStruct((S, F_SP), jnp.bfloat16),
            jax.ShapeDtypeStruct((S, F_MIN), jnp.bfloat16),
        ],
    )(xs, W_sp1, b_sp1.reshape(1, -1), W_min, b_min.reshape(1, -1))

    sorted_out = pl.pallas_call(
        _proj_body,
        grid_spec=pltpu.PrefetchScalarGridSpec(
            num_scalar_prefetch=1,
            grid=(N_VT,),
            in_specs=[
                pl.BlockSpec((S, MODEL_DIM), lambda j, b: (0, 0)),
                pl.BlockSpec((S, F_SP), lambda j, b: (0, 0)),
                pl.BlockSpec((S, F_MIN), lambda j, b: (0, 0)),
                pl.BlockSpec((MODEL_DIM, VT),
                             lambda j, b: (0, jnp.where(b[1] < S, j, 0))),
                pl.BlockSpec((F_SP, VT),
                             lambda j, b: (0, jnp.where(b[1] > b[0], j, 0))),
                pl.BlockSpec((1, VT), lambda j, b: (0, j)),
                pl.BlockSpec((F_MIN, VT),
                             lambda j, b: (0, jnp.where(b[0] > 0, j, 0))),
                pl.BlockSpec((1, VT), lambda j, b: (0, j)),
            ],
            out_specs=pl.BlockSpec((S, VT), lambda j, b: (0, j)),
            scratch_shapes=[
                pltpu.VMEM((MODEL_DIM, VT), jnp.bfloat16),
                pltpu.VMEM((F_SP, VT), jnp.bfloat16),
                pltpu.VMEM((F_MIN, VT), jnp.bfloat16),
            ],
        ),
        out_shape=jax.ShapeDtypeStruct((S, VOCAB), jnp.float32),
        compiler_params=pltpu.CompilerParams(
            vmem_limit_bytes=64 * 1024 * 1024),
    )(bounds, xbf, h1, mf, W_full, W_sp2, b_sp2.reshape(1, -1),
      W_exp, b_exp.reshape(1, -1))

    out = _combine(sorted_out, inv)
    return out.reshape(1, S, VOCAB)

# --- scband reference (transcript-rebuilt; emitter-appended) ---
"""Pipeline reference for scband-sparse-output-projection-38431367364876 (READ-ONLY COPY).

The authoritative reference and input builder live on the scoring server;
editing this copy changes nothing except your own understanding.
"""

import jax, jax.numpy as jnp
import numpy as np

MODEL_DIM = 768
VOCAB = 16000
HIGH_T = 0.7
MED_T = 0.3
B, S, N_SPLATS = 1, 2048, 16


def _lin(k, fan_in, fan_out):
    return (jax.random.normal(k, (fan_in, fan_out), dtype=jnp.float32) / np.sqrt(fan_in)).astype(jnp.float32)


def setup_inputs(seed: int = 0) -> dict:
    key = jax.random.key(seed)
    ks = jax.random.split(key, 8)
    hidden_states = jax.random.normal(ks[0], (B, S, MODEL_DIM), dtype=jnp.float32)
    attention_weights = jax.random.uniform(ks[1], (B, S, N_SPLATS), dtype=jnp.float32)
    W_full = _lin(ks[2], MODEL_DIM, VOCAB)
    W_sp1 = _lin(ks[3], MODEL_DIM, VOCAB // 4)
    b_sp1 = jnp.zeros((VOCAB // 4,), jnp.float32)
    W_sp2 = _lin(ks[4], VOCAB // 4, VOCAB)
    b_sp2 = jnp.zeros((VOCAB,), jnp.float32)
    W_min = _lin(ks[5], MODEL_DIM, VOCAB // 8)
    b_min = jnp.zeros((VOCAB // 8,), jnp.float32)
    W_exp = _lin(ks[6], VOCAB // 8, VOCAB)
    b_exp = jnp.zeros((VOCAB,), jnp.float32)
    return {
        'hidden_states': hidden_states,
        'attention_weights': attention_weights,
        'W_full': W_full,
        'W_sp1': W_sp1, 'b_sp1': b_sp1,
        'W_sp2': W_sp2, 'b_sp2': b_sp2,
        'W_min': W_min, 'b_min': b_min,
        'W_exp': W_exp, 'b_exp': b_exp,
    }


def reference(hidden_states, attention_weights, W_full, W_sp1, b_sp1, W_sp2, b_sp2, W_min, b_min, W_exp, b_exp):
    # strategy from attention weights (attention_weights is provided, so the
    # attention-gate MLP path is not taken)
    token_attention = jnp.sum(attention_weights, axis=-1)              # [B, S]
    max_att = jnp.max(token_attention, axis=-1, keepdims=True)        # [B, 1]
    norm = token_attention / (max_att + 1e-08)
    strategy = jnp.where(norm >= HIGH_T, 2, jnp.where(norm >= MED_T, 1, 0))  # int [B, S]

    # tier 2: full projection (Linear, no bias)
    full_logits = jnp.einsum('bsd,dv->bsv', hidden_states, W_full)
    # tier 1: sparse projection (Linear -> GELU(exact) -> Linear)
    h1 = jax.nn.gelu(jnp.einsum('bsd,df->bsf', hidden_states, W_sp1) + b_sp1, approximate=False)
    sparse_logits = jnp.einsum('bsf,fv->bsv', h1, W_sp2) + b_sp2
    # tier 0: minimal projection + expander
    mfeat = jnp.einsum('bsd,dm->bsm', hidden_states, W_min) + b_min
    minimal_logits = jnp.einsum('bsm,mv->bsv', mfeat, W_exp) + b_exp

    strat = strategy[..., None]
    logits = jnp.where(strat == 2, full_logits,
                       jnp.where(strat == 1, sparse_logits, minimal_logits))
    # vocab focusing disabled via sparsity_config, so logits are returned as-is
    return logits

if __name__ == "__main__":
    import jax
    _d = setup_inputs()
    print(jax.jit(kernel)(*tuple(_d.values())))

</pallas_src>

<mosaic_0001>
#map = affine_map<(d0, d1) -> (0, 0)>
#map1 = affine_map<(d0, d1) -> (0)>
module attributes {stable_mosaic.version = 14 : i64} {
  func.func @_route_body(%arg0: i32, %arg1: i32, %arg2: memref<16x2048xf32, #tpu.memory_space<hbm>>, %arg3: memref<2048xi32, #tpu.memory_space<hbm>>, %arg4: memref<2048xi32, #tpu.memory_space<hbm>>, %arg5: memref<16xi32, #tpu.memory_space<hbm>>, %arg6: memref<16x2048xf32, #tpu.memory_space<vmem>>, %arg7: memref<2048xf32, #tpu.memory_space<vmem>>, %arg8: memref<2048xi32, #tpu.memory_space<vmem>>, %arg9: memref<2048xi32, #tpu.memory_space<vmem>>, %arg10: memref<2048xi32, #tpu.memory_space<vmem>>, %arg11: memref<16xi32, #tpu.memory_space<vmem>>) attributes {dimension_semantics = [#tpu.dimension_semantics<core_parallel>, #tpu.dimension_semantics<subcore_parallel>], iteration_bounds = array<i64: 2, 16>, scalar_prefetch = 0 : i64, scratch_operands = 6 : i64, tpu.core_type = #tpu.core_type<sc_vector_subcore>, window_params = [{transform_indices = #map}, {transform_indices = #map1}, {transform_indices = #map1}, {transform_indices = #map1}]} {
    %mul3A = arith.constant 2 : i32
    %mul3A_0 = arith.muli %arg1, %mul3A : i32
    %add3A = arith.addi %mul3A_0, %arg0 : i32
    %eq3A = arith.constant 0 : i32
    %eq3A_1 = arith.cmpi eq, %add3A, %eq3A : i32
    %convert_element_type3A = arith.extui %eq3A_1 : i1 to i32
    %cond3A = arith.constant 0 : i32
    %cond3A_2 = arith.cmpi ne, %convert_element_type3A, %cond3A : i32
    scf.if %cond3A_2 {
      "tpu.region"() ({
        %run_scoped3A = tpu.sem_alloc : memref<!tpu.dma_semaphore, #tpu.memory_space<semaphore_mem>>
        tpu.enqueue_dma source(%arg2 : memref<16x2048xf32, #tpu.memory_space<hbm>>) target(%arg6 : memref<16x2048xf32, #tpu.memory_space<vmem>>) target_semaphore(%run_scoped3A : memref<!tpu.dma_semaphore, #tpu.memory_space<semaphore_mem>>)
        tpu.wait_dma2 semaphore(%run_scoped3A : memref<!tpu.dma_semaphore, #tpu.memory_space<semaphore_mem>>) src(%arg2 : memref<16x2048xf32, #tpu.memory_space<hbm>>) dst(%arg6 : memref<16x2048xf32, #tpu.memory_space<vmem>>)
        tpu.yield
      }) : () -> ()
      %broadcast_in_dim3A = arith.constant 0xFF800000 : f32
      %broadcast_in_dim3A_3 = vector.broadcast %broadcast_in_dim3A : f32 to vector<16xf32>
      %scan3A = arith.constant 0 : i32
      %scan3A_4 = arith.constant 128 : i32
      %scan3A_5 = arith.addi %scan3A, %scan3A_4 : i32
      %scan3A_6 = arith.constant 1 : i32
      %scan3A_7 = scf.for %scan3A_40 = %scan3A to %scan3A_5 step %scan3A_6 iter_args(%scan3A_41 = %broadcast_in_dim3A_3) -> (vector<16xf32>)  : i32 {
        %mul3A_42 = arith.constant 16 : i32
        %mul3A_43 = arith.muli %scan3A_40, %mul3A_42 : i32
        %get3A = arith.constant 0 : i32
        %get3A_44 = arith.index_cast %get3A : i32 to index
        %get3A_45 = arith.index_cast %mul3A_43 : i32 to index
        %get3A_46 = tpu.vector_load %arg6[%get3A_44, %get3A_45] {strides = array<i32>} : memref<16x2048xf32, #tpu.memory_space<vmem>>, vector<16xf32>,
        %mul3A_47 = arith.constant 16 : i32
        %mul3A_48 = arith.muli %scan3A_40, %mul3A_47 : i32
        %get3A_49 = arith.constant 1 : i32
        %get3A_50 = arith.index_cast %get3A_49 : i32 to index
        %get3A_51 = arith.index_cast %mul3A_48 : i32 to index
        %get3A_52 = tpu.vector_load %arg6[%get3A_50, %get3A_51] {strides = array<i32>} : memref<16x2048xf32, #tpu.memory_space<vmem>>, vector<16xf32>,
        %add3A_53 = arith.addf %get3A_46, %get3A_52 : vector<16xf32>
        %mul3A_54 = arith.constant 16 : i32
        %mul3A_55 = arith.muli %scan3A_40, %mul3A_54 : i32
        %get3A_56 = arith.constant 2 : i32
        %get3A_57 = arith.index_cast %get3A_56 : i32 to index
        %get3A_58 = arith.index_cast %mul3A_55 : i32 to index
        %get3A_59 = tpu.vector_load %arg6[%get3A_57, %get3A_58] {strides = array<i32>} : memref<16x2048xf32, #tpu.memory_space<vmem>>, vector<16xf32>,
        %add3A_60 = arith.addf %add3A_53, %get3A_59 : vector<16xf32>
        %mul3A_61 = arith.constant 16 : i32
        %mul3A_62 = arith.muli %scan3A_40, %mul3A_61 : i32
        %get3A_63 = arith.constant 3 : i32
        %get3A_64 = arith.index_cast %get3A_63 : i32 to index
        %get3A_65 = arith.index_cast %mul3A_62 : i32 to index
        %get3A_66 = tpu.vector_load %arg6[%get3A_64, %get3A_65] {strides = array<i32>} : memref<16x2048xf32, #tpu.memory_space<vmem>>, vector<16xf32>,
        %add3A_67 = arith.addf %add3A_60, %get3A_66 : vector<16xf32>
        %mul3A_68 = arith.constant 16 : i32
        %mul3A_69 = arith.muli %scan3A_40, %mul3A_68 : i32
        %get3A_70 = arith.constant 4 : i32
        %get3A_71 = arith.index_cast %get3A_70 : i32 to index
        %get3A_72 = arith.index_cast %mul3A_69 : i32 to index
        %get3A_73 = tpu.vector_load %arg6[%get3A_71, %get3A_72] {strides = array<i32>} : memref<16x2048xf32, #tpu.memory_space<vmem>>, vector<16xf32>,
        %add3A_74 = arith.addf %add3A_67, %get3A_73 : vector<16xf32>
        %mul3A_75 = arith.constant 16 : i32
        %mul3A_76 = arith.muli %scan3A_40, %mul3A_75 : i32
        %get3A_77 = arith.constant 5 : i32
        %get3A_78 = arith.index_cast %get3A_77 : i32 to index
        %get3A_79 = arith.index_cast %mul3A_76 : i32 to index
        %get3A_80 = tpu.vector_load %arg6[%get3A_78, %get3A_79] {strides = array<i32>} : memref<16x2048xf32, #tpu.memory_space<vmem>>, vector<16xf32>,
        %add3A_81 = arith.addf %add3A_74, %get3A_80 : vector<16xf32>
        %mul3A_82 = arith.constant 16 : i32
        %mul3A_83 = arith.muli %scan3A_40, %mul3A_82 : i32
        %get3A_84 = arith.constant 6 : i32
        %get3A_85 = arith.index_cast %get3A_84 : i32 to index
        %get3A_86 = arith.index_cast %mul3A_83 : i32 to index
        %get3A_87 = tpu.vector_load %arg6[%get3A_85, %get3A_86] {strides = array<i32>} : memref<16x2048xf32, #tpu.memory_space<vmem>>, vector<16xf32>,
        %add3A_88 = arith.addf %add3A_81, %get3A_87 : vector<16xf32>
        %mul3A_89 = arith.constant 16 : i32
        %mul3A_90 = arith.muli %scan3A_40, %mul3A_89 : i32
        %get3A_91 = arith.constant 7 : i32
        %get3A_92 = arith.index_cast %get3A_91 : i32 to index
        %get3A_93 = arith.index_cast %mul3A_90 : i32 to index
        %get3A_94 = tpu.vector_load %arg6[%get3A_92, %get3A_93] {strides = array<i32>} : memref<16x2048xf32, #tpu.memory_space<vmem>>, vector<16xf32>,
        %add3A_95 = arith.addf %add3A_88, %get3A_94 : vector<16xf32>
        %mul3A_96 = arith.constant 16 : i32
        %mul3A_97 = arith.muli %scan3A_40, %mul3A_96 : i32
        %get3A_98 = arith.constant 8 : i32
        %get3A_99 = arith.index_cast %get3A_98 : i32 to index
        %get3A_100 = arith.index_cast %mul3A_97 : i32 to index
        %get3A_101 = tpu.vector_load %arg6[%get3A_99, %get3A_100] {strides = array<i32>} : memref<16x2048xf32, #tpu.memory_space<vmem>>, vector<16xf32>,
        %add3A_102 = arith.addf %add3A_95, %get3A_101 : vector<16xf32>
        %mul3A_103 = arith.constant 16 : i32
        %mul3A_104 = arith.muli %scan3A_40, %mul3A_103 : i32
        %get3A_105 = arith.constant 9 : i32
        %get3A_106 = arith.index_cast %get3A_105 : i32 to index
        %get3A_107 = arith.index_cast %mul3A_104 : i32 to index
        %get3A_108 = tpu.vector_load %arg6[%get3A_106, %get3A_107] {strides = array<i32>} : memref<16x2048xf32, #tpu.memory_space<vmem>>, vector<16xf32>,
        %add3A_109 = arith.addf %add3A_102, %get3A_108 : vector<16xf32>
        %mul3A_110 = arith.constant 16 : i32
        %mul3A_111 = arith.muli %scan3A_40, %mul3A_110 : i32
        %get3A_112 = arith.constant 10 : i32
        %get3A_113 = arith.index_cast %get3A_112 : i32 to index
        %get3A_114 = arith.index_cast %mul3A_111 : i32 to index
        %get3A_115 = tpu.vector_load %arg6[%get3A_113, %get3A_114] {strides = array<i32>} : memref<16x2048xf32, #tpu.memory_space<vmem>>, vector<16xf32>,
        %add3A_116 = arith.addf %add3A_109, %get3A_115 : vector<16xf32>
        %mul3A_117 = arith.constant 16 : i32
        %mul3A_118 = arith.muli %scan3A_40, %mul3A_117 : i32
        %get3A_119 = arith.constant 11 : i32
        %get3A_120 = arith.index_cast %get3A_119 : i32 to index
        %get3A_121 = arith.index_cast %mul3A_118 : i32 to index
        %get3A_122 = tpu.vector_load %arg6[%get3A_120, %get3A_121] {strides = array<i32>} : memref<16x2048xf32, #tpu.memory_space<vmem>>, vector<16xf32>,
        %add3A_123 = arith.addf %add3A_116, %get3A_122 : vector<16xf32>
        %mul3A_124 = arith.constant 16 : i32
        %mul3A_125 = arith.muli %scan3A_40, %mul3A_124 : i32
        %get3A_126 = arith.constant 12 : i32
        %get3A_127 = arith.index_cast %get3A_126 : i32 to index
        %get3A_128 = arith.index_cast %mul3A_125 : i32 to index
        %get3A_129 = tpu.vector_load %arg6[%get3A_127, %get3A_128] {strides = array<i32>} : memref<16x2048xf32, #tpu.memory_space<vmem>>, vector<16xf32>,
        %add3A_130 = arith.addf %add3A_123, %get3A_129 : vector<16xf32>
        %mul3A_131 = arith.constant 16 : i32
        %mul3A_132 = arith.muli %scan3A_40, %mul3A_131 : i32
        %get3A_133 = arith.constant 13 : i32
        %get3A_134 = arith.index_cast %get3A_133 : i32 to index
        %get3A_135 = arith.index_cast %mul3A_132 : i32 to index
        %get3A_136 = tpu.vector_load %arg6[%get3A_134, %get3A_135] {strides = array<i32>} : memref<16x2048xf32, #tpu.memory_space<vmem>>, vector<16xf32>,
        %add3A_137 = arith.addf %add3A_130, %get3A_136 : vector<16xf32>
        %mul3A_138 = arith.constant 16 : i32
        %mul3A_139 = arith.muli %scan3A_40, %mul3A_138 : i32
        %get3A_140 = arith.constant 14 : i32
        %get3A_141 = arith.index_cast %get3A_140 : i32 to index
        %get3A_142 = arith.index_cast %mul3A_139 : i32 to index
        %get3A_143 = tpu.vector_load %arg6[%get3A_141, %get3A_142] {strides = array<i32>} : memref<16x2048xf32, #tpu.memory_space<vmem>>, vector<16xf32>,
        %add3A_144 = arith.addf %add3A_137, %get3A_143 : vector<16xf32>
        %mul3A_145 = arith.constant 16 : i32
        %mul3A_146 = arith.muli %scan3A_40, %mul3A_145 : i32
        %get3A_147 = arith.constant 15 : i32
        %get3A_148 = arith.index_cast %get3A_147 : i32 to index
        %get3A_149 = arith.index_cast %mul3A_146 : i32 to index
        %get3A_150 = tpu.vector_load %arg6[%get3A_148, %get3A_149] {strides = array<i32>} : memref<16x2048xf32, #tpu.memory_space<vmem>>, vector<16xf32>,
        %add3A_151 = arith.addf %add3A_144, %get3A_150 : vector<16xf32>
        %mul3A_152 = arith.constant 16 : i32
        %mul3A_153 = arith.muli %scan3A_40, %mul3A_152 : i32
        %swap3A_154 = arith.index_cast %mul3A_153 : i32 to index
        %swap3A_155 = tpu.vector_load %arg7[%swap3A_154] {strides = array<i32>} : memref<2048xf32, #tpu.memory_space<vmem>>, vector<16xf32>,
        tpu.vector_store %arg7[%swap3A_154], %add3A_151 {strides = array<i32>} : memref<2048xf32, #tpu.memory_space<vmem>>, vector<16xf32>,
        %max3A = arith.maximumf %scan3A_41, %add3A_151 : vector<16xf32>
        scf.yield %max3A : vector<16xf32>
      }
      %scan3A_8 = arith.constant 128 : i32
      %reduce_max3A = arith.constant true
      %reduce_max3A_9 = vector.broadcast %reduce_max3A : i1 to vector<16xi1>
      %reduce_max3A_10 = tpu.scan <max>, %scan3A_7 masked %reduce_max3A_9 : vector<16xf32>, vector<16xi1> -> vector<16xf32>
      %reduce_max3A_11 = vector.extract %reduce_max3A_10[15] : f32 from vector<16xf32>
      %scan3A_12 = arith.constant 0 : i32
      %scan3A_13 = arith.constant 0 : i32
      %scan3A_14 = arith.constant 0 : i32
      %scan3A_15 = arith.constant 128 : i32
      %scan3A_16 = arith.addi %scan3A_14, %scan3A_15 : i32
      %scan3A_17 = arith.constant 1 : i32
      %scan3A_18:2 = scf.for %scan3A_40 = %scan3A_14 to %scan3A_16 step %scan3A_17 iter_args(%scan3A_41 = %scan3A_12, %scan3A_42 = %scan3A_13) -> (i32, i32)  : i32 {
        %mul3A_43 = arith.constant 16 : i32
        %mul3A_44 = arith.muli %scan3A_40, %mul3A_43 : i32
        %get3A = arith.index_cast %mul3A_44 : i32 to index
        %get3A_45 = tpu.vector_load %arg7[%get3A] {strides = array<i32>} : memref<2048xf32, #tpu.memory_space<vmem>>, vector<16xf32>,
        %add3A_46 = arith.constant 9.99999993E-9 : f32
        %add3A_47 = arith.addf %reduce_max3A_11, %add3A_46 : f32
        %div3A = vector.broadcast %add3A_47 : f32 to vector<16xf32>
        %div3A_48 = arith.divf %get3A_45, %div3A : vector<16xf32>
        %ge3A = arith.constant 0.699999988 : f32
        %ge3A_49 = vector.broadcast %ge3A : f32 to vector<16xf32>
        %ge3A_50 = arith.cmpf oge, %div3A_48, %ge3A_49 : vector<16xf32>
        %ge3A_51 = arith.constant 3.000000e-01 : f32
        %ge3A_52 = vector.broadcast %ge3A_51 : f32 to vector<16xf32>
        %ge3A_53 = arith.cmpf oge, %div3A_48, %ge3A_52 : vector<16xf32>
        %jit3A_54 = arith.constant 1 : i32
        %jit3A_55 = arith.constant 0 : i32
        %broadcast_in_dim3A_56 = vector.broadcast %jit3A_54 : i32 to vector<16xi32>
        %broadcast_in_dim3A_57 = vector.broadcast %jit3A_55 : i32 to vector<16xi32>
        %select_n3A_58 = arith.select %ge3A_53, %broadcast_in_dim3A_56, %broadcast_in_dim3A_57 : vector<16xi1>, vector<16xi32>
        %jit3A_59 = arith.constant 2 : i32
        %broadcast_in_dim3A_60 = vector.broadcast %jit3A_59 : i32 to vector<16xi32>
        %select_n3A_61 = arith.select %ge3A_50, %broadcast_in_dim3A_60, %select_n3A_58 : vector<16xi1>, vector<16xi32>
        %mul3A_62 = arith.constant 16 : i32
        %mul3A_63 = arith.muli %scan3A_40, %mul3A_62 : i32
        %swap3A_64 = arith.index_cast %mul3A_63 : i32 to index
        %swap3A_65 = tpu.vector_load %arg8[%swap3A_64] {strides = array<i32>} : memref<2048xi32, #tpu.memory_space<vmem>>, vector<16xi32>,
        tpu.vector_store %arg8[%swap3A_64], %select_n3A_61 {strides = array<i32>} : memref<2048xi32, #tpu.memory_space<vmem>>, vector<16xi32>,
        %eq3A_66 = arith.constant 0 : i32
        %eq3A_67 = vector.broadcast %eq3A_66 : i32 to vector<16xi32>
        %eq3A_68 = arith.cmpi eq, %select_n3A_61, %eq3A_67 : vector<16xi32>
        %convert_element_type3A_69 = arith.extui %eq3A_68 : vector<16xi1> to vector<16xi32>
        %reduce_sum3A = arith.constant true
        %reduce_sum3A_70 = vector.broadcast %reduce_sum3A : i1 to vector<16xi1>
        %reduce_sum3A_71 = tpu.scan <sum>, %convert_element_type3A_69 masked %reduce_sum3A_70 : vector<16xi32>, vector<16xi1> -> vector<16xi32>
        %reduce_sum3A_72 = vector.extract %reduce_sum3A_71[15] : i32 from vector<16xi32>
        %add3A_73 = arith.addi %scan3A_41, %reduce_sum3A_72 : i32
        %eq3A_74 = arith.constant 1 : i32
        %eq3A_75 = vector.broadcast %eq3A_74 : i32 to vector<16xi32>
        %eq3A_76 = arith.cmpi eq, %select_n3A_61, %eq3A_75 : vector<16xi32>
        %convert_element_type3A_77 = arith.extui %eq3A_76 : vector<16xi1> to vector<16xi32>
        %reduce_sum3A_78 = arith.constant true
        %reduce_sum3A_79 = vector.broadcast %reduce_sum3A_78 : i1 to vector<16xi1>
        %reduce_sum3A_80 = tpu.scan <sum>, %convert_element_type3A_77 masked %reduce_sum3A_79 : vector<16xi32>, vector<16xi1> -> vector<16xi32>
        %reduce_sum3A_81 = vector.extract %reduce_sum3A_80[15] : i32 from vector<16xi32>
        %add3A_82 = arith.addi %scan3A_42, %reduce_sum3A_81 : i32
        scf.yield %add3A_73, %add3A_82 : i32, i32
      }
      %scan3A_19 = arith.constant 128 : i32
      %add3A_20 = arith.addi %scan3A_18#0, %scan3A_18#1 : i32
      %scan3A_21 = arith.constant 0 : i32
      %scan3A_22 = arith.constant 0 : i32
      %scan3A_23 = arith.constant 128 : i32
      %scan3A_24 = arith.addi %scan3A_22, %scan3A_23 : i32
      %scan3A_25 = arith.constant 1 : i32
      %scan3A_26:3 = scf.for %scan3A_40 = %scan3A_22 to %scan3A_24 step %scan3A_25 iter_args(%scan3A_41 = %scan3A_21, %scan3A_42 = %scan3A_18#0, %scan3A_43 = %add3A_20) -> (i32, i32, i32)  : i32 {
        %mul3A_44 = arith.constant 16 : i32
        %mul3A_45 = arith.muli %scan3A_40, %mul3A_44 : i32
        %get3A = arith.index_cast %mul3A_45 : i32 to index
        %get3A_46 = tpu.vector_load %arg8[%get3A] {strides = array<i32>} : memref<2048xi32, #tpu.memory_space<vmem>>, vector<16xi32>,
        %eq3A_47 = arith.constant 0 : i32
        %eq3A_48 = vector.broadcast %eq3A_47 : i32 to vector<16xi32>
        %eq3A_49 = arith.cmpi eq, %get3A_46, %eq3A_48 : vector<16xi32>
        %convert_element_type3A_50 = arith.extui %eq3A_49 : vector<16xi1> to vector<16xi32>
        %eq3A_51 = arith.constant 1 : i32
        %eq3A_52 = vector.broadcast %eq3A_51 : i32 to vector<16xi32>
        %eq3A_53 = arith.cmpi eq, %get3A_46, %eq3A_52 : vector<16xi32>
        %convert_element_type3A_54 = arith.extui %eq3A_53 : vector<16xi1> to vector<16xi32>
        %eq3A_55 = arith.constant 2 : i32
        %eq3A_56 = vector.broadcast %eq3A_55 : i32 to vector<16xi32>
        %eq3A_57 = arith.cmpi eq, %get3A_46, %eq3A_56 : vector<16xi32>
        %convert_element_type3A_58 = arith.extui %eq3A_57 : vector<16xi1> to vector<16xi32>
        %broadcast_in_dim3A_59 = arith.constant true
        %broadcast_in_dim3A_60 = vector.broadcast %broadcast_in_dim3A_59 : i1 to vector<16xi1>
        %masked_cumsum3A = tpu.scan <sum>, %convert_element_type3A_50 masked %broadcast_in_dim3A_60 : vector<16xi32>, vector<16xi1> -> vector<16xi32>
        %broadcast_in_dim3A_61 = arith.constant true
        %broadcast_in_dim3A_62 = vector.broadcast %broadcast_in_dim3A_61 : i1 to vector<16xi1>
        %masked_cumsum3A_63 = tpu.scan <sum>, %convert_element_type3A_54 masked %broadcast_in_dim3A_62 : vector<16xi32>, vector<16xi1> -> vector<16xi32>
        %broadcast_in_dim3A_64 = arith.constant true
        %broadcast_in_dim3A_65 = vector.broadcast %broadcast_in_dim3A_64 : i1 to vector<16xi1>
        %masked_cumsum3A_66 = tpu.scan <sum>, %convert_element_type3A_58 masked %broadcast_in_dim3A_65 : vector<16xi32>, vector<16xi1> -> vector<16xi32>
        %add3A_67 = vector.broadcast %scan3A_41 : i32 to vector<16xi32>
        %add3A_68 = arith.addi %add3A_67, %masked_cumsum3A : vector<16xi32>
        %sub3A = arith.constant 1 : i32
        %sub3A_69 = vector.broadcast %sub3A : i32 to vector<16xi32>
        %sub3A_70 = arith.subi %add3A_68, %sub3A_69 : vector<16xi32>
        %mul3A_71 = arith.muli %sub3A_70, %convert_element_type3A_50 : vector<16xi32>
        %add3A_72 = vector.broadcast %scan3A_42 : i32 to vector<16xi32>
        %add3A_73 = arith.addi %add3A_72, %masked_cumsum3A_63 : vector<16xi32>
        %sub3A_74 = arith.constant 1 : i32
        %sub3A_75 = vector.broadcast %sub3A_74 : i32 to vector<16xi32>
        %sub3A_76 = arith.subi %add3A_73, %sub3A_75 : vector<16xi32>
        %mul3A_77 = arith.muli %sub3A_76, %convert_element_type3A_54 : vector<16xi32>
        %add3A_78 = arith.addi %mul3A_71, %mul3A_77 : vector<16xi32>
        %add3A_79 = vector.broadcast %scan3A_43 : i32 to vector<16xi32>
        %add3A_80 = arith.addi %add3A_79, %masked_cumsum3A_66 : vector<16xi32>
        %sub3A_81 = arith.constant 1 : i32
        %sub3A_82 = vector.broadcast %sub3A_81 : i32 to vector<16xi32>
        %sub3A_83 = arith.subi %add3A_80, %sub3A_82 : vector<16xi32>
        %mul3A_84 = arith.muli %sub3A_83, %convert_element_type3A_58 : vector<16xi32>
        %add3A_85 = arith.addi %add3A_78, %mul3A_84 : vector<16xi32>
        %mul3A_86 = arith.constant 16 : i32
        %mul3A_87 = arith.muli %scan3A_40, %mul3A_86 : i32
        %swap3A_88 = arith.index_cast %mul3A_87 : i32 to index
        %swap3A_89 = tpu.vector_load %arg10[%swap3A_88] {strides = array<i32>} : memref<2048xi32, #tpu.memory_space<vmem>>, vector<16xi32>,
        tpu.vector_store %arg10[%swap3A_88], %add3A_85 {strides = array<i32>} : memref<2048xi32, #tpu.memory_space<vmem>>, vector<16xi32>,
        %iota3A_90 = tpu.iota {dimensions = array<i32: 0>} : vector<16xi32>
        %mul3A_91 = arith.constant 16 : i32
        %mul3A_92 = arith.muli %scan3A_40, %mul3A_91 : i32
        %add3A_93 = vector.broadcast %mul3A_92 : i32 to vector<16xi32>
        %add3A_94 = arith.addi %iota3A_90, %add3A_93 : vector<16xi32>
        tpu.vector_store_idx %arg9[%add3A_85], %add3A_94 : memref<2048xi32, #tpu.memory_space<vmem>>[vector<16xi32>], vector<16xi32>,
        %reduce_sum3A = arith.constant true
        %reduce_sum3A_95 = vector.broadcast %reduce_sum3A : i1 to vector<16xi1>
        %reduce_sum3A_96 = tpu.scan <sum>, %convert_element_type3A_50 masked %reduce_sum3A_95 : vector<16xi32>, vector<16xi1> -> vector<16xi32>
        %reduce_sum3A_97 = vector.extract %reduce_sum3A_96[15] : i32 from vector<16xi32>
        %add3A_98 = arith.addi %scan3A_41, %reduce_sum3A_97 : i32
        %reduce_sum3A_99 = arith.constant true
        %reduce_sum3A_100 = vector.broadcast %reduce_sum3A_99 : i1 to vector<16xi1>
        %reduce_sum3A_101 = tpu.scan <sum>, %convert_element_type3A_54 masked %reduce_sum3A_100 : vector<16xi32>, vector<16xi1> -> vector<16xi32>
        %reduce_sum3A_102 = vector.extract %reduce_sum3A_101[15] : i32 from vector<16xi32>
        %add3A_103 = arith.addi %scan3A_42, %reduce_sum3A_102 : i32
        %reduce_sum3A_104 = arith.constant true
        %reduce_sum3A_105 = vector.broadcast %reduce_sum3A_104 : i1 to vector<16xi1>
        %reduce_sum3A_106 = tpu.scan <sum>, %convert_element_type3A_58 masked %reduce_sum3A_105 : vector<16xi32>, vector<16xi1> -> vector<16xi32>
        %reduce_sum3A_107 = vector.extract %reduce_sum3A_106[15] : i32 from vector<16xi32>
        %add3A_108 = arith.addi %scan3A_43, %reduce_sum3A_107 : i32
        scf.yield %add3A_98, %add3A_103, %add3A_108 : i32, i32, i32
      }
      %scan3A_27 = arith.constant 128 : i32
      %iota3A = tpu.iota {dimensions = array<i32: 0>} : vector<16xi32>
      %eq3A_28 = arith.constant 0 : i32
      %eq3A_29 = vector.broadcast %eq3A_28 : i32 to vector<16xi32>
      %eq3A_30 = arith.cmpi eq, %iota3A, %eq3A_29 : vector<16xi32>
      %eq3A_31 = arith.constant 1 : i32
      %eq3A_32 = vector.broadcast %eq3A_31 : i32 to vector<16xi32>
      %eq3A_33 = arith.cmpi eq, %iota3A, %eq3A_32 : vector<16xi32>
      %add3A_34 = arith.addi %scan3A_18#0, %scan3A_18#1 : i32
      %jit3A = arith.constant 0 : i32
      %broadcast_in_dim3A_35 = vector.broadcast %add3A_34 : i32 to vector<16xi32>
      %broadcast_in_dim3A_36 = vector.broadcast %jit3A : i32 to vector<16xi32>
      %select_n3A = arith.select %eq3A_33, %broadcast_in_dim3A_35, %broadcast_in_dim3A_36 : vector<16xi1>, vector<16xi32>
      %broadcast_in_dim3A_37 = vector.broadcast %scan3A_18#0 : i32 to vector<16xi32>
      %select_n3A_38 = arith.select %eq3A_30, %broadcast_in_dim3A_37, %select_n3A : vector<16xi1>, vector<16xi32>
      %swap3A = arith.constant 0 : index
      %swap3A_39 = tpu.vector_load %arg11[%swap3A] {strides = array<i32>} : memref<16xi32, #tpu.memory_space<vmem>>, vector<16xi32>,
      tpu.vector_store %arg11[%swap3A], %select_n3A_38 {strides = array<i32>} : memref<16xi32, #tpu.memory_space<vmem>>, vector<16xi32>,
      "tpu.region"() ({
        %run_scoped3A = tpu.sem_alloc : memref<!tpu.dma_semaphore, #tpu.memory_space<semaphore_mem>>
        tpu.enqueue_dma source(%arg9 : memref<2048xi32, #tpu.memory_space<vmem>>) target(%arg3 : memref<2048xi32, #tpu.memory_space<hbm>>) target_semaphore(%run_scoped3A : memref<!tpu.dma_semaphore, #tpu.memory_space<semaphore_mem>>)
        tpu.wait_dma2 semaphore(%run_scoped3A : memref<!tpu.dma_semaphore, #tpu.memory_space<semaphore_mem>>) src(%arg9 : memref<2048xi32, #tpu.memory_space<vmem>>) dst(%arg3 : memref<2048xi32, #tpu.memory_space<hbm>>)
        tpu.yield
      }) : () -> ()
      "tpu.region"() ({
        %run_scoped3A = tpu.sem_alloc : memref<!tpu.dma_semaphore, #tpu.memory_space<semaphore_mem>>
        tpu.enqueue_dma source(%arg10 : memref<2048xi32, #tpu.memory_space<vmem>>) target(%arg4 : memref<2048xi32, #tpu.memory_space<hbm>>) target_semaphore(%run_scoped3A : memref<!tpu.dma_semaphore, #tpu.memory_space<semaphore_mem>>)
        tpu.wait_dma2 semaphore(%run_scoped3A : memref<!tpu.dma_semaphore, #tpu.memory_space<semaphore_mem>>) src(%arg10 : memref<2048xi32, #tpu.memory_space<vmem>>) dst(%arg4 : memref<2048xi32, #tpu.memory_space<hbm>>)
        tpu.yield
      }) : () -> ()
      "tpu.region"() ({
        %run_scoped3A = tpu.sem_alloc : memref<!tpu.dma_semaphore, #tpu.memory_space<semaphore_mem>>
        tpu.enqueue_dma source(%arg11 : memref<16xi32, #tpu.memory_space<vmem>>) target(%arg5 : memref<16xi32, #tpu.memory_space<hbm>>) target_semaphore(%run_scoped3A : memref<!tpu.dma_semaphore, #tpu.memory_space<semaphore_mem>>)
        tpu.wait_dma2 semaphore(%run_scoped3A : memref<!tpu.dma_semaphore, #tpu.memory_space<semaphore_mem>>) src(%arg11 : memref<16xi32, #tpu.memory_space<vmem>>) dst(%arg5 : memref<16xi32, #tpu.memory_space<hbm>>)
        tpu.yield
      }) : () -> ()
    } else {
    }
    return
  }
}

#map = affine_map<(d0, d1) -> (0, 0)>
#map1 = affine_map<(d0, d1) -> (0)>
module attributes {stable_mosaic.version = 14 : i64} {
  func.func @_gather_x_body(%arg0: i32, %arg1: i32, %arg2: memref<2048x768xf32, #tpu.memory_space<hbm>>, %arg3: memref<2048xi32, #tpu.memory_space<hbm>>, %arg4: memref<2048x768xf32, #tpu.memory_space<hbm>>, %arg5: memref<64xi32, #tpu.memory_space<vmem>>, %arg6: memref<64x768xf32, #tpu.memory_space<vmem>>, %arg7: memref<!tpu.dma_semaphore, #tpu.memory_space<semaphore_mem>>) attributes {dimension_semantics = [#tpu.dimension_semantics<core_parallel>, #tpu.dimension_semantics<subcore_parallel>], iteration_bounds = array<i64: 2, 16>, scalar_prefetch = 0 : i64, scratch_operands = 3 : i64, tpu.core_type = #tpu.core_type<sc_vector_subcore>, window_params = [{transform_indices = #map}, {transform_indices = #map1}, {transform_indices = #map}]} {
    %mul3A = arith.constant 2 : i32
    %mul3A_0 = arith.muli %arg1, %mul3A : i32
    %add3A = arith.addi %mul3A_0, %arg0 : i32
    %mul3A_1 = arith.constant 64 : i32
    %mul3A_2 = arith.muli %add3A, %mul3A_1 : i32
    "tpu.region"() ({
      %run_scoped3A = tpu.sem_alloc : memref<!tpu.dma_semaphore, #tpu.memory_space<semaphore_mem>>
      %dma_start3A_7 = tpu.memref_slice %arg3[%mul3A_2] : memref<2048xi32, #tpu.memory_space<hbm>> -> memref<64xi32, #tpu.memory_space<hbm>>
      %dma_start3A_8 = tpu.memref_slice %arg3[%mul3A_2] : memref<2048xi32, #tpu.memory_space<hbm>> -> memref<64xi32, #tpu.memory_space<hbm>>
      tpu.enqueue_dma source(%dma_start3A_8 : memref<64xi32, #tpu.memory_space<hbm>>) target(%arg5 : memref<64xi32, #tpu.memory_space<vmem>>) target_semaphore(%run_scoped3A : memref<!tpu.dma_semaphore, #tpu.memory_space<semaphore_mem>>)
      %dma_wait3A_9 = tpu.memref_slice %arg3[%mul3A_2] : memref<2048xi32, #tpu.memory_space<hbm>> -> memref<64xi32, #tpu.memory_space<hbm>>
      %dma_wait3A_10 = tpu.memref_slice %arg3[%mul3A_2] : memref<2048xi32, #tpu.memory_space<hbm>> -> memref<64xi32, #tpu.memory_space<hbm>>
      tpu.wait_dma2 semaphore(%run_scoped3A : memref<!tpu.dma_semaphore, #tpu.memory_space<semaphore_mem>>) src(%dma_wait3A_10 : memref<64xi32, #tpu.memory_space<hbm>>) dst(%arg5 : memref<64xi32, #tpu.memory_space<vmem>>)
      tpu.yield
    }) : () -> ()
    %dma_start3A = arith.constant 0 : i32
    %dma_start3A_3 = arith.constant 0 : i32
    %dma_start3A_4 = tpu.memref_slice %arg2[%dma_start3A, %dma_start3A_3] : memref<2048x768xf32, #tpu.memory_space<hbm>> -> memref<2048x768xf32, #tpu.memory_space<hbm>>
    tpu.enqueue_indirect_dma source(%dma_start3A_4 : memref<2048x768xf32, #tpu.memory_space<hbm>>) target(%arg6 : memref<64x768xf32, #tpu.memory_space<vmem>>) offsets(%arg5 : memref<64xi32, #tpu.memory_space<vmem>>) semaphore(%arg7 : memref<!tpu.dma_semaphore, #tpu.memory_space<semaphore_mem>>)
    %dma_wait3A = arith.constant 0 : i32
    %dma_wait3A_5 = arith.constant 0 : i32
    %dma_wait3A_6 = tpu.memref_slice %arg2[%dma_wait3A, %dma_wait3A_5] : memref<2048x768xf32, #tpu.memory_space<hbm>> -> memref<2048x768xf32, #tpu.memory_space<hbm>>
    tpu.wait_indirect_dma semaphore(%arg7 : memref<!tpu.dma_semaphore, #tpu.memory_space<semaphore_mem>>) src(%dma_wait3A_6 : memref<2048x768xf32, #tpu.memory_space<hbm>>) dst(%arg6 : memref<64x768xf32, #tpu.memory_space<vmem>>)
    "tpu.region"() ({
      %run_scoped3A = tpu.sem_alloc : memref<!tpu.dma_semaphore, #tpu.memory_space<semaphore_mem>>
      %dma_start3A_7 = arith.constant 0 : i32
      %dma_start3A_8 = tpu.memref_slice %arg4[%mul3A_2, %dma_start3A_7] : memref<2048x768xf32, #tpu.memory_space<hbm>> -> memref<64x768xf32, #tpu.memory_space<hbm>>
      %dma_start3A_9 = arith.constant 0 : i32
      %dma_start3A_10 = tpu.memref_slice %arg4[%mul3A_2, %dma_start3A_9] : memref<2048x768xf32, #tpu.memory_space<hbm>> -> memref<64x768xf32, #tpu.memory_space<hbm>>
      tpu.enqueue_dma source(%arg6 : memref<64x768xf32, #tpu.memory_space<vmem>>) target(%dma_start3A_10 : memref<64x768xf32, #tpu.memory_space<hbm>>) target_semaphore(%run_scoped3A : memref<!tpu.dma_semaphore, #tpu.memory_space<semaphore_mem>>)
      %dma_wait3A_11 = arith.constant 0 : i32
      %dma_wait3A_12 = tpu.memref_slice %arg4[%mul3A_2, %dma_wait3A_11] : memref<2048x768xf32, #tpu.memory_space<hbm>> -> memref<64x768xf32, #tpu.memory_space<hbm>>
      %dma_wait3A_13 = arith.constant 0 : i32
      %dma_wait3A_14 = tpu.memref_slice %arg4[%mul3A_2, %dma_wait3A_13] : memref<2048x768xf32, #tpu.memory_space<hbm>> -> memref<64x768xf32, #tpu.memory_space<hbm>>
      tpu.wait_dma2 semaphore(%run_scoped3A : memref<!tpu.dma_semaphore, #tpu.memory_space<semaphore_mem>>) src(%arg6 : memref<64x768xf32, #tpu.memory_space<vmem>>) dst(%dma_wait3A_14 : memref<64x768xf32, #tpu.memory_space<hbm>>)
      tpu.yield
    }) : () -> ()
    return
  }
}

#map = affine_map<(d0, d1) -> (0, 0)>
#map1 = affine_map<(d0, d1) -> (0)>
module attributes {stable_mosaic.version = 14 : i64} {
  func.func @_combine_body(%arg0: i32, %arg1: i32, %arg2: memref<2048x16000xf32, #tpu.memory_space<hbm>>, %arg3: memref<2048xi32, #tpu.memory_space<hbm>>, %arg4: memref<2048x16000xf32, #tpu.memory_space<hbm>>, %arg5: memref<64xi32, #tpu.memory_space<vmem>>, %arg6: memref<8x16000xf32, #tpu.memory_space<vmem>>, %arg7: memref<!tpu.dma_semaphore, #tpu.memory_space<semaphore_mem>>) attributes {dimension_semantics = [#tpu.dimension_semantics<core_parallel>, #tpu.dimension_semantics<subcore_parallel>], iteration_bounds = array<i64: 2, 16>, scalar_prefetch = 0 : i64, scratch_operands = 3 : i64, tpu.core_type = #tpu.core_type<sc_vector_subcore>, window_params = [{transform_indices = #map}, {transform_indices = #map1}, {transform_indices = #map}]} {
    %mul3A = arith.constant 2 : i32
    %mul3A_0 = arith.muli %arg1, %mul3A : i32
    %add3A = arith.addi %mul3A_0, %arg0 : i32
    %mul3A_1 = arith.constant 64 : i32
    %mul3A_2 = arith.muli %add3A, %mul3A_1 : i32
    "tpu.region"() ({
      %run_scoped3A = tpu.sem_alloc : memref<!tpu.dma_semaphore, #tpu.memory_space<semaphore_mem>>
      %dma_start3A = tpu.memref_slice %arg3[%mul3A_2] : memref<2048xi32, #tpu.memory_space<hbm>> -> memref<64xi32, #tpu.memory_space<hbm>>
      %dma_start3A_9 = tpu.memref_slice %arg3[%mul3A_2] : memref<2048xi32, #tpu.memory_space<hbm>> -> memref<64xi32, #tpu.memory_space<hbm>>
      tpu.enqueue_dma source(%dma_start3A_9 : memref<64xi32, #tpu.memory_space<hbm>>) target(%arg5 : memref<64xi32, #tpu.memory_space<vmem>>) target_semaphore(%run_scoped3A : memref<!tpu.dma_semaphore, #tpu.memory_space<semaphore_mem>>)
      %dma_wait3A = tpu.memref_slice %arg3[%mul3A_2] : memref<2048xi32, #tpu.memory_space<hbm>> -> memref<64xi32, #tpu.memory_space<hbm>>
      %dma_wait3A_10 = tpu.memref_slice %arg3[%mul3A_2] : memref<2048xi32, #tpu.memory_space<hbm>> -> memref<64xi32, #tpu.memory_space<hbm>>
      tpu.wait_dma2 semaphore(%run_scoped3A : memref<!tpu.dma_semaphore, #tpu.memory_space<semaphore_mem>>) src(%dma_wait3A_10 : memref<64xi32, #tpu.memory_space<hbm>>) dst(%arg5 : memref<64xi32, #tpu.memory_space<vmem>>)
      tpu.yield
    }) : () -> ()
    %scan3A = arith.constant 0 : i32
    %scan3A_3 = arith.constant 0 : i32
    %scan3A_4 = arith.constant 8 : i32
    %scan3A_5 = arith.addi %scan3A_3, %scan3A_4 : i32
    %scan3A_6 = arith.constant 1 : i32
    %scan3A_7 = scf.for %scan3A_9 = %scan3A_3 to %scan3A_5 step %scan3A_6 iter_args(%scan3A_10 = %scan3A) -> (i32)  : i32 {
      %mul3A_11 = arith.constant 8 : i32
      %mul3A_12 = arith.muli %scan3A_9, %mul3A_11 : i32
      %dma_start3A = tpu.memref_slice %arg5[%mul3A_12] : memref<64xi32, #tpu.memory_space<vmem>> -> memref<8xi32, #tpu.memory_space<vmem>>
      %dma_start3A_13 = arith.constant 0 : i32
      %dma_start3A_14 = arith.constant 0 : i32
      %dma_start3A_15 = tpu.memref_slice %arg2[%dma_start3A_13, %dma_start3A_14] : memref<2048x16000xf32, #tpu.memory_space<hbm>> -> memref<2048x16000xf32, #tpu.memory_space<hbm>>
      tpu.enqueue_indirect_dma source(%dma_start3A_15 : memref<2048x16000xf32, #tpu.memory_space<hbm>>) target(%arg6 : memref<8x16000xf32, #tpu.memory_space<vmem>>) offsets(%dma_start3A : memref<8xi32, #tpu.memory_space<vmem>>) semaphore(%arg7 : memref<!tpu.dma_semaphore, #tpu.memory_space<semaphore_mem>>)
      %dma_wait3A = tpu.memref_slice %arg5[%mul3A_12] : memref<64xi32, #tpu.memory_space<vmem>> -> memref<8xi32, #tpu.memory_space<vmem>>
      %dma_wait3A_16 = arith.constant 0 : i32
      %dma_wait3A_17 = arith.constant 0 : i32
      %dma_wait3A_18 = tpu.memref_slice %arg2[%dma_wait3A_16, %dma_wait3A_17] : memref<2048x16000xf32, #tpu.memory_space<hbm>> -> memref<2048x16000xf32, #tpu.memory_space<hbm>>
      tpu.wait_indirect_dma semaphore(%arg7 : memref<!tpu.dma_semaphore, #tpu.memory_space<semaphore_mem>>) src(%dma_wait3A_18 : memref<2048x16000xf32, #tpu.memory_space<hbm>>) dst(%arg6 : memref<8x16000xf32, #tpu.memory_space<vmem>>)
      %mul3A_19 = arith.constant 8 : i32
      %mul3A_20 = arith.muli %scan3A_9, %mul3A_19 : i32
      %add3A_21 = arith.addi %mul3A_2, %mul3A_20 : i32
      "tpu.region"() ({
        %run_scoped3A = tpu.sem_alloc : memref<!tpu.dma_semaphore, #tpu.memory_space<semaphore_mem>>
        %dma_start3A_23 = arith.constant 0 : i32
        %dma_start3A_24 = tpu.memref_slice %arg4[%add3A_21, %dma_start3A_23] : memref<2048x16000xf32, #tpu.memory_space<hbm>> -> memref<8x16000xf32, #tpu.memory_space<hbm>>
        %dma_start3A_25 = arith.constant 0 : i32
        %dma_start3A_26 = tpu.memref_slice %arg4[%add3A_21, %dma_start3A_25] : memref<2048x16000xf32, #tpu.memory_space<hbm>> -> memref<8x16000xf32, #tpu.memory_space<hbm>>
        tpu.enqueue_dma source(%arg6 : memref<8x16000xf32, #tpu.memory_space<vmem>>) target(%dma_start3A_26 : memref<8x16000xf32, #tpu.memory_space<hbm>>) target_semaphore(%run_scoped3A : memref<!tpu.dma_semaphore, #tpu.memory_space<semaphore_mem>>)
        %dma_wait3A_27 = arith.constant 0 : i32
        %dma_wait3A_28 = tpu.memref_slice %arg4[%add3A_21, %dma_wait3A_27] : memref<2048x16000xf32, #tpu.memory_space<hbm>> -> memref<8x16000xf32, #tpu.memory_space<hbm>>
        %dma_wait3A_29 = arith.constant 0 : i32
        %dma_wait3A_30 = tpu.memref_slice %arg4[%add3A_21, %dma_wait3A_29] : memref<2048x16000xf32, #tpu.memory_space<hbm>> -> memref<8x16000xf32, #tpu.memory_space<hbm>>
        tpu.wait_dma2 semaphore(%run_scoped3A : memref<!tpu.dma_semaphore, #tpu.memory_space<semaphore_mem>>) src(%arg6 : memref<8x16000xf32, #tpu.memory_space<vmem>>) dst(%dma_wait3A_30 : memref<8x16000xf32, #tpu.memory_space<hbm>>)
        tpu.yield
      }) : () -> ()
      %scan3A_22 = arith.constant 0 : i32
      scf.yield %scan3A_22 : i32
    }
    %scan3A_8 = arith.constant 8 : i32
    return
  }
}

module attributes {stable_mosaic.version = 14 : i64} {
  func.func @_stage1_body(%arg0: i32, %arg1: memref<2048x768xf32, #tpu.memory_space<vmem>>, %arg2: memref<768x1024xf32, #tpu.memory_space<vmem>>, %arg3: memref<1x1024xf32, #tpu.memory_space<vmem>>, %arg4: memref<768x512xf32, #tpu.memory_space<vmem>>, %arg5: memref<1x512xf32, #tpu.memory_space<vmem>>, %arg6: memref<2048x768xbf16, #tpu.memory_space<vmem>>, %arg7: memref<2048x1024xbf16, #tpu.memory_space<vmem>>, %arg8: memref<2048x512xbf16, #tpu.memory_space<vmem>>) attributes {dimension_semantics = [#tpu.dimension_semantics<arbitrary>], iteration_bounds = array<i64: 4>, scalar_prefetch = 0 : i64, scratch_operands = 0 : i64, tpu.core_type = #tpu.core_type<tc>, window_params = [{pipeline_mode = #tpu.pipeline_mode<synchronous>, transform_indices = @transform_0, window_bounds = array<i64: 2048, 768>}, {transform_indices = @transform_1, window_bounds = array<i64: 768, 1024>}, {transform_indices = @transform_2, window_bounds = array<i64: 1, 1024>}, {transform_indices = @transform_3, window_bounds = array<i64: 768, 512>}, {transform_indices = @transform_4, window_bounds = array<i64: 1, 512>}, {pipeline_mode = #tpu.pipeline_mode<synchronous>, transform_indices = @transform_5, window_bounds = array<i64: 2048, 768>}, {transform_indices = @transform_6, window_bounds = array<i64: 2048, 1024>}, {transform_indices = @transform_7, window_bounds = array<i64: 2048, 512>}]} {
    %get3A = arith.constant 0 : index
    %get3A_0 = arith.constant 0 : index
    %get3A_1 = vector.load %arg1[%get3A, %get3A_0] : memref<2048x768xf32, #tpu.memory_space<vmem>>, vector<2048x768xf32>
    %convert_element_type3A = arith.truncf %get3A_1 : vector<2048x768xf32> to vector<2048x768xbf16>
    %swap3A = arith.constant 0 : index
    %swap3A_2 = arith.constant 0 : index
    %swap3A_3 = vector.load %arg6[%swap3A, %swap3A_2] : memref<2048x768xbf16, #tpu.memory_space<vmem>>, vector<2048x768xbf16>
    tpu.vector_store %arg6[%swap3A, %swap3A_2], %convert_element_type3A {strides = array<i32>} : memref<2048x768xbf16, #tpu.memory_space<vmem>>, vector<2048x768xbf16>,
    %get3A_4 = arith.constant 0 : index
    %get3A_5 = arith.constant 0 : index
    %get3A_6 = vector.load %arg2[%get3A_4, %get3A_5] : memref<768x1024xf32, #tpu.memory_space<vmem>>, vector<768x1024xf32>
    %convert_element_type3A_7 = arith.truncf %get3A_6 : vector<768x1024xf32> to vector<768x1024xbf16>
    %dot_general3A = arith.constant dense<0.000000e+00> : vector<2048x1024xf32>
    %dot_general3A_8 = tpu.matmul %convert_element_type3A, %convert_element_type3A_7, %dot_general3A {dimension_numbers = #tpu.dot_dimension_numbers<[1], [0], [0], [1], [0, 0, 1, 1], [], []>, transpose_lhs_hint = false} : vector<2048x768xbf16>, vector<768x1024xbf16>, vector<2048x1024xf32> -> vector<2048x1024xf32>
    %get3A_9 = arith.constant 0 : index
    %get3A_10 = arith.constant 0 : index
    %get3A_11 = vector.load %arg3[%get3A_9, %get3A_10] : memref<1x1024xf32, #tpu.memory_space<vmem>>, vector<1x1024xf32>
    %add3A = vector.broadcast %get3A_11 : vector<1x1024xf32> to vector<2048x1024xf32>
    %add3A_12 = arith.addf %dot_general3A_8, %add3A : vector<2048x1024xf32>
    %mul3A = arith.constant 5.000000e-01 : f32
    %mul3A_13 = vector.broadcast %mul3A : f32 to vector<2048x1024xf32>
    %mul3A_14 = arith.mulf %mul3A_13, %add3A_12 : vector<2048x1024xf32>
    %sqrt3A = arith.constant 2.000000e+00 : f32
    %sqrt3A_15 = math.sqrt %sqrt3A : f32
    %div3A = vector.broadcast %sqrt3A_15 : f32 to vector<2048x1024xf32>
    %div3A_16 = arith.divf %add3A_12, %div3A : vector<2048x1024xf32>
    %erf3A = math.erf %div3A_16 : vector<2048x1024xf32>
    %add3A_17 = arith.constant 1.000000e+00 : f32
    %add3A_18 = vector.broadcast %add3A_17 : f32 to vector<2048x1024xf32>
    %add3A_19 = arith.addf %add3A_18, %erf3A : vector<2048x1024xf32>
    %mul3A_20 = arith.mulf %mul3A_14, %add3A_19 : vector<2048x1024xf32>
    %convert_element_type3A_21 = arith.truncf %mul3A_20 : vector<2048x1024xf32> to vector<2048x1024xbf16>
    %swap3A_22 = arith.constant 0 : index
    %swap3A_23 = arith.constant 0 : index
    %swap3A_24 = vector.load %arg7[%swap3A_22, %swap3A_23] : memref<2048x1024xbf16, #tpu.memory_space<vmem>>, vector<2048x1024xbf16>
    tpu.vector_store %arg7[%swap3A_22, %swap3A_23], %convert_element_type3A_21 {strides = array<i32>} : memref<2048x1024xbf16, #tpu.memory_space<vmem>>, vector<2048x1024xbf16>,
    %get3A_25 = arith.constant 0 : index
    %get3A_26 = arith.constant 0 : index
    %get3A_27 = vector.load %arg4[%get3A_25, %get3A_26] : memref<768x512xf32, #tpu.memory_space<vmem>>, vector<768x512xf32>
    %convert_element_type3A_28 = arith.truncf %get3A_27 : vector<768x512xf32> to vector<768x512xbf16>
    %dot_general3A_29 = arith.constant dense<0.000000e+00> : vector<2048x512xf32>
    %dot_general3A_30 = tpu.matmul %convert_element_type3A, %convert_element_type3A_28, %dot_general3A_29 {dimension_numbers = #tpu.dot_dimension_numbers<[1], [0], [0], [1], [0, 0, 1, 1], [], []>, transpose_lhs_hint = false} : vector<2048x768xbf16>, vector<768x512xbf16>, vector<2048x512xf32> -> vector<2048x512xf32>
    %get3A_31 = arith.constant 0 : index
    %get3A_32 = arith.constant 0 : index
    %get3A_33 = vector.load %arg5[%get3A_31, %get3A_32] : memref<1x512xf32, #tpu.memory_space<vmem>>, vector<1x512xf32>
    %add3A_34 = vector.broadcast %get3A_33 : vector<1x512xf32> to vector<2048x512xf32>
    %add3A_35 = arith.addf %dot_general3A_30, %add3A_34 : vector<2048x512xf32>
    %convert_element_type3A_36 = arith.truncf %add3A_35 : vector<2048x512xf32> to vector<2048x512xbf16>
    %swap3A_37 = arith.constant 0 : index
    %swap3A_38 = arith.constant 0 : index
    %swap3A_39 = vector.load %arg8[%swap3A_37, %swap3A_38] : memref<2048x512xbf16, #tpu.memory_space<vmem>>, vector<2048x512xbf16>
    tpu.vector_store %arg8[%swap3A_37, %swap3A_38], %convert_element_type3A_36 {strides = array<i32>} : memref<2048x512xbf16, #tpu.memory_space<vmem>>, vector<2048x512xbf16>,
    return
  }
  func.func @transform_0(%arg0: i32) -> (i32, i32) {
    %c0_i32 = arith.constant 0 : i32
    %c0_i32_0 = arith.constant 0 : i32
    %c0_i32_1 = arith.constant 0 : i32
    return %c0_i32, %c0_i32_0 : i32, i32
  }
  func.func @transform_1(%arg0: i32) -> (i32, i32) {
    %c0_i32 = arith.constant 0 : i32
    %c0_i32_0 = arith.constant 0 : i32
    return %c0_i32, %arg0 : i32, i32
  }
  func.func @transform_2(%arg0: i32) -> (i32, i32) {
    %c0_i32 = arith.constant 0 : i32
    %c0_i32_0 = arith.constant 0 : i32
    return %c0_i32, %arg0 : i32, i32
  }
  func.func @transform_3(%arg0: i32) -> (i32, i32) {
    %c0_i32 = arith.constant 0 : i32
    %c0_i32_0 = arith.constant 0 : i32
    return %c0_i32, %arg0 : i32, i32
  }
  func.func @transform_4(%arg0: i32) -> (i32, i32) {
    %c0_i32 = arith.constant 0 : i32
    %c0_i32_0 = arith.constant 0 : i32
    return %c0_i32, %arg0 : i32, i32
  }
  func.func @transform_5(%arg0: i32) -> (i32, i32) {
    %c0_i32 = arith.constant 0 : i32
    %c0_i32_0 = arith.constant 0 : i32
    %c0_i32_1 = arith.constant 0 : i32
    return %c0_i32, %c0_i32_0 : i32, i32
  }
  func.func @transform_6(%arg0: i32) -> (i32, i32) {
    %c0_i32 = arith.constant 0 : i32
    %c0_i32_0 = arith.constant 0 : i32
    return %c0_i32, %arg0 : i32, i32
  }
  func.func @transform_7(%arg0: i32) -> (i32, i32) {
    %c0_i32 = arith.constant 0 : i32
    %c0_i32_0 = arith.constant 0 : i32
    return %c0_i32, %arg0 : i32, i32
  }
}

module attributes {stable_mosaic.version = 14 : i64} {
  func.func @_proj_body(%arg0: i32, %arg1: memref<16xi32, #tpu.memory_space<smem>>, %arg2: memref<2048x768xbf16, #tpu.memory_space<vmem>>, %arg3: memref<2048x4000xbf16, #tpu.memory_space<vmem>>, %arg4: memref<2048x2000xbf16, #tpu.memory_space<vmem>>, %arg5: memref<768x256xf32, #tpu.memory_space<vmem>>, %arg6: memref<4000x256xf32, #tpu.memory_space<vmem>>, %arg7: memref<1x256xf32, #tpu.memory_space<vmem>>, %arg8: memref<2000x256xf32, #tpu.memory_space<vmem>>, %arg9: memref<1x256xf32, #tpu.memory_space<vmem>>, %arg10: memref<2048x256xf32, #tpu.memory_space<vmem>>, %arg11: memref<768x256xbf16, #tpu.memory_space<vmem>>, %arg12: memref<4000x256xbf16, #tpu.memory_space<vmem>>, %arg13: memref<2000x256xbf16, #tpu.memory_space<vmem>>) attributes {dimension_semantics = [#tpu.dimension_semantics<arbitrary>], iteration_bounds = array<i64: 63>, scalar_prefetch = 1 : i64, scratch_operands = 3 : i64, tpu.core_type = #tpu.core_type<tc>, window_params = [{pipeline_mode = #tpu.pipeline_mode<synchronous>, transform_indices = @transform_0, window_bounds = array<i64: 2048, 768>}, {pipeline_mode = #tpu.pipeline_mode<synchronous>, transform_indices = @transform_1, window_bounds = array<i64: 2048, 4000>}, {pipeline_mode = #tpu.pipeline_mode<synchronous>, transform_indices = @transform_2, window_bounds = array<i64: 2048, 2000>}, {transform_indices = @transform_3, window_bounds = array<i64: 768, 256>}, {transform_indices = @transform_4, window_bounds = array<i64: 4000, 256>}, {transform_indices = @transform_5, window_bounds = array<i64: 1, 256>}, {transform_indices = @transform_6, window_bounds = array<i64: 2000, 256>}, {transform_indices = @transform_7, window_bounds = array<i64: 1, 256>}, {transform_indices = @transform_8, window_bounds = array<i64: 2048, 256>}]} {
    %get3A = arith.constant 0 : index
    %get3A_0 = memref.load %arg1[%get3A] : memref<16xi32, #tpu.memory_space<smem>>
    %get3A_1 = arith.constant 1 : index
    %get3A_2 = memref.load %arg1[%get3A_1] : memref<16xi32, #tpu.memory_space<smem>>
    %lt3A = arith.constant 2048 : i32
    %lt3A_3 = arith.cmpi slt, %get3A_2, %lt3A : i32
    %convert_element_type3A = arith.extui %lt3A_3 : i1 to i32
    %cond3A = arith.constant 0 : i32
    %cond3A_4 = arith.cmpi ne, %convert_element_type3A, %cond3A : i32
    scf.if %cond3A_4 {
      %get3A_145 = arith.constant 0 : index
      %get3A_146 = arith.constant 0 : index
      %get3A_147 = vector.load %arg5[%get3A_145, %get3A_146] : memref<768x256xf32, #tpu.memory_space<vmem>>, vector<768x256xf32>
      %convert_element_type3A_148 = arith.truncf %get3A_147 : vector<768x256xf32> to vector<768x256xbf16>
      %swap3A_149 = arith.constant 0 : index
      %swap3A_150 = arith.constant 0 : index
      %swap3A_151 = vector.load %arg11[%swap3A_149, %swap3A_150] : memref<768x256xbf16, #tpu.memory_space<vmem>>, vector<768x256xbf16>
      tpu.vector_store %arg11[%swap3A_149, %swap3A_150], %convert_element_type3A_148 {strides = array<i32>} : memref<768x256xbf16, #tpu.memory_space<vmem>>, vector<768x256xbf16>,
    } else {
    }
    %gt3A = arith.cmpi sgt, %get3A_2, %get3A_0 : i32
    %convert_element_type3A_5 = arith.extui %gt3A : i1 to i32
    %cond3A_6 = arith.constant 0 : i32
    %cond3A_7 = arith.cmpi ne, %convert_element_type3A_5, %cond3A_6 : i32
    scf.if %cond3A_7 {
      %get3A_145 = arith.constant 0 : index
      %get3A_146 = arith.constant 0 : index
      %get3A_147 = vector.load %arg6[%get3A_145, %get3A_146] : memref<4000x256xf32, #tpu.memory_space<vmem>>, vector<4000x256xf32>
      %convert_element_type3A_148 = arith.truncf %get3A_147 : vector<4000x256xf32> to vector<4000x256xbf16>
      %swap3A_149 = arith.constant 0 : index
      %swap3A_150 = arith.constant 0 : index
      %swap3A_151 = vector.load %arg12[%swap3A_149, %swap3A_150] : memref<4000x256xbf16, #tpu.memory_space<vmem>>, vector<4000x256xbf16>
      tpu.vector_store %arg12[%swap3A_149, %swap3A_150], %convert_element_type3A_148 {strides = array<i32>} : memref<4000x256xbf16, #tpu.memory_space<vmem>>, vector<4000x256xbf16>,
    } else {
    }
    %gt3A_8 = arith.constant 0 : i32
    %gt3A_9 = arith.cmpi sgt, %get3A_0, %gt3A_8 : i32
    %convert_element_type3A_10 = arith.extui %gt3A_9 : i1 to i32
    %cond3A_11 = arith.constant 0 : i32
    %cond3A_12 = arith.cmpi ne, %convert_element_type3A_10, %cond3A_11 : i32
    scf.if %cond3A_12 {
      %get3A_145 = arith.constant 0 : index
      %get3A_146 = arith.constant 0 : index
      %get3A_147 = vector.load %arg8[%get3A_145, %get3A_146] : memref<2000x256xf32, #tpu.memory_space<vmem>>, vector<2000x256xf32>
      %convert_element_type3A_148 = arith.truncf %get3A_147 : vector<2000x256xf32> to vector<2000x256xbf16>
      %swap3A_149 = arith.constant 0 : index
      %swap3A_150 = arith.constant 0 : index
      %swap3A_151 = vector.load %arg13[%swap3A_149, %swap3A_150] : memref<2000x256xbf16, #tpu.memory_space<vmem>>, vector<2000x256xbf16>
      tpu.vector_store %arg13[%swap3A_149, %swap3A_150], %convert_element_type3A_148 {strides = array<i32>} : memref<2000x256xbf16, #tpu.memory_space<vmem>>, vector<2000x256xbf16>,
    } else {
    }
    %broadcast_in_dim3A = arith.constant 0.000000e+00 : f32
    %broadcast_in_dim3A_13 = vector.broadcast %broadcast_in_dim3A : f32 to vector<2048x256xf32>
    %swap3A = arith.constant 0 : index
    %swap3A_14 = arith.constant 0 : index
    %swap3A_15 = vector.load %arg10[%swap3A, %swap3A_14] : memref<2048x256xf32, #tpu.memory_space<vmem>>, vector<2048x256xf32>
    tpu.vector_store %arg10[%swap3A, %swap3A_14], %broadcast_in_dim3A_13 {strides = array<i32>} : memref<2048x256xf32, #tpu.memory_space<vmem>>, vector<2048x256xf32>,
    %iota3A = tpu.iota {dimensions = array<i32: 0>} : vector<512x1xi32>
    %add3A = arith.constant 512 : i32
    %add3A_16 = arith.addi %get3A_0, %add3A : i32
    %sub3A = arith.constant 1 : i32
    %sub3A_17 = arith.subi %add3A_16, %sub3A : i32
    %jit3A = arith.constant 512 : i32
    %div3A = arith.divsi %sub3A_17, %jit3A : i32
    %sign3A = arith.constant 0 : i32
    %sign3A_18 = arith.cmpi sgt, %sub3A_17, %sign3A : i32
    %sign3A_19 = arith.extui %sign3A_18 : i1 to i32
    %sign3A_20 = arith.constant 0 : i32
    %sign3A_21 = arith.cmpi slt, %sub3A_17, %sign3A_20 : i32
    %sign3A_22 = arith.extui %sign3A_21 : i1 to i32
    %sign3A_23 = arith.subi %sign3A_19, %sign3A_22 : i32
    %sign3A_24 = arith.constant 0 : i32
    %sign3A_25 = arith.cmpi sgt, %jit3A, %sign3A_24 : i32
    %sign3A_26 = arith.extui %sign3A_25 : i1 to i32
    %sign3A_27 = arith.constant 0 : i32
    %sign3A_28 = arith.cmpi slt, %jit3A, %sign3A_27 : i32
    %sign3A_29 = arith.extui %sign3A_28 : i1 to i32
    %sign3A_30 = arith.subi %sign3A_26, %sign3A_29 : i32
    %ne3A = arith.cmpi ne, %sign3A_23, %sign3A_30 : i32
    %rem3A = arith.remsi %sub3A_17, %jit3A : i32
    %ne3A_31 = arith.constant 0 : i32
    %ne3A_32 = arith.cmpi ne, %rem3A, %ne3A_31 : i32
    %and3A = arith.andi %ne3A, %ne3A_32 : i1
    %sub3A_33 = arith.constant 1 : i32
    %sub3A_34 = arith.subi %div3A, %sub3A_33 : i32
    %select_n3A = arith.select %and3A, %sub3A_34, %div3A : i32
    %while3A = arith.constant 0 : i32
    %while3A_35 = arith.constant 0 : i32
    %while3A_36 = arith.subi %select_n3A, %while3A : i32
    %while3A_37 = arith.addi %while3A, %while3A_36 : i32
    %while3A_38 = arith.constant 1 : i32
    %while3A_39 = arith.divsi %while3A_36, %while3A_38 : i32
    %while3A_40 = arith.muli %while3A_39, %while3A_38 : i32
    %while3A_41 = arith.addi %while3A, %while3A_40 : i32
    %while3A_42 = arith.constant 1 : i32
    %while3A_43 = scf.for %while3A_145 = %while3A to %while3A_41 step %while3A_42 iter_args(%while3A_146 = %while3A_35) -> (i32)  : i32 {
      %mul3A = arith.constant 512 : i32
      %mul3A_147 = arith.muli %while3A_145, %mul3A : i32
      %mul3A_148 = arith.constant 512 : i32
      %mul3A_149 = arith.muli %while3A_145, %mul3A_148 : i32
      %add3A_150 = vector.broadcast %mul3A_149 : i32 to vector<512x1xi32>
      %add3A_151 = arith.addi %iota3A, %add3A_150 : vector<512x1xi32>
      %get3A_152 = arith.index_cast %mul3A_147 : i32 to index
      %get3A_153 = arith.constant 0 : index
      %get3A_154 = vector.load %arg4[%get3A_152, %get3A_153] : memref<2048x2000xbf16, #tpu.memory_space<vmem>>, vector<512x2000xbf16>
      %get3A_155 = arith.constant 0 : index
      %get3A_156 = arith.constant 0 : index
      %get3A_157 = vector.load %arg13[%get3A_155, %get3A_156] : memref<2000x256xbf16, #tpu.memory_space<vmem>>, vector<2000x256xbf16>
      %dot_general3A = arith.constant dense<0.000000e+00> : vector<512x256xf32>
      %dot_general3A_158 = tpu.matmul %get3A_154, %get3A_157, %dot_general3A {dimension_numbers = #tpu.dot_dimension_numbers<[1], [0], [0], [1], [0, 0, 1, 1], [], []>, transpose_lhs_hint = false} : vector<512x2000xbf16>, vector<2000x256xbf16>, vector<512x256xf32> -> vector<512x256xf32>
      %get3A_159 = arith.constant 0 : index
      %get3A_160 = arith.constant 0 : index
      %get3A_161 = vector.load %arg9[%get3A_159, %get3A_160] : memref<1x256xf32, #tpu.memory_space<vmem>>, vector<1x256xf32>
      %add3A_162 = vector.broadcast %get3A_161 : vector<1x256xf32> to vector<512x256xf32>
      %add3A_163 = arith.addf %dot_general3A_158, %add3A_162 : vector<512x256xf32>
      %get3A_164 = arith.index_cast %mul3A_147 : i32 to index
      %get3A_165 = arith.constant 0 : index
      %get3A_166 = vector.load %arg10[%get3A_164, %get3A_165] : memref<2048x256xf32, #tpu.memory_space<vmem>>, vector<512x256xf32>
      %lt3A_167 = vector.broadcast %get3A_0 : i32 to vector<512x1xi32>
      %lt3A_168 = arith.cmpi slt, %add3A_151, %lt3A_167 : vector<512x1xi32>
      %jit3A_169 = arith.constant 0.000000e+00 : f32
      %broadcast_in_dim3A_170 = vector.shape_cast %lt3A_168 : vector<512x1xi1> to vector<512x1xi1>
      %broadcast_in_dim3A_171 = vector.broadcast %broadcast_in_dim3A_170 : vector<512x1xi1> to vector<512x256xi1>
      %broadcast_in_dim3A_172 = vector.broadcast %jit3A_169 : f32 to vector<512x256xf32>
      %select_n3A_173 = arith.select %broadcast_in_dim3A_171, %add3A_163, %broadcast_in_dim3A_172 : vector<512x256xi1>, vector<512x256xf32>
      %add3A_174 = arith.addf %get3A_166, %select_n3A_173 : vector<512x256xf32>
      %swap3A_175 = arith.index_cast %mul3A_147 : i32 to index
      %swap3A_176 = arith.constant 0 : index
      %swap3A_177 = vector.load %arg10[%swap3A_175, %swap3A_176] : memref<2048x256xf32, #tpu.memory_space<vmem>>, vector<512x256xf32>
      tpu.vector_store %arg10[%swap3A_175, %swap3A_176], %add3A_174 {strides = array<i32>} : memref<2048x256xf32, #tpu.memory_space<vmem>>, vector<512x256xf32>,
      %while3A_178 = arith.constant 0 : i32
      scf.yield %while3A_178 : i32
    }
    %while3A_44 = arith.constant 1 : i32
    %while3A_45 = scf.for %while3A_145 = %while3A_41 to %while3A_37 step %while3A_44 iter_args(%while3A_146 = %while3A_43) -> (i32)  : i32 {
      %mul3A = arith.constant 512 : i32
      %mul3A_147 = arith.muli %while3A_145, %mul3A : i32
      %mul3A_148 = arith.constant 512 : i32
      %mul3A_149 = arith.muli %while3A_145, %mul3A_148 : i32
      %add3A_150 = vector.broadcast %mul3A_149 : i32 to vector<512x1xi32>
      %add3A_151 = arith.addi %iota3A, %add3A_150 : vector<512x1xi32>
      %get3A_152 = arith.index_cast %mul3A_147 : i32 to index
      %get3A_153 = arith.constant 0 : index
      %get3A_154 = vector.load %arg4[%get3A_152, %get3A_153] : memref<2048x2000xbf16, #tpu.memory_space<vmem>>, vector<512x2000xbf16>
      %get3A_155 = arith.constant 0 : index
      %get3A_156 = arith.constant 0 : index
      %get3A_157 = vector.load %arg13[%get3A_155, %get3A_156] : memref<2000x256xbf16, #tpu.memory_space<vmem>>, vector<2000x256xbf16>
      %dot_general3A = arith.constant dense<0.000000e+00> : vector<512x256xf32>
      %dot_general3A_158 = tpu.matmul %get3A_154, %get3A_157, %dot_general3A {dimension_numbers = #tpu.dot_dimension_numbers<[1], [0], [0], [1], [0, 0, 1, 1], [], []>, transpose_lhs_hint = false} : vector<512x2000xbf16>, vector<2000x256xbf16>, vector<512x256xf32> -> vector<512x256xf32>
      %get3A_159 = arith.constant 0 : index
      %get3A_160 = arith.constant 0 : index
      %get3A_161 = vector.load %arg9[%get3A_159, %get3A_160] : memref<1x256xf32, #tpu.memory_space<vmem>>, vector<1x256xf32>
      %add3A_162 = vector.broadcast %get3A_161 : vector<1x256xf32> to vector<512x256xf32>
      %add3A_163 = arith.addf %dot_general3A_158, %add3A_162 : vector<512x256xf32>
      %get3A_164 = arith.index_cast %mul3A_147 : i32 to index
      %get3A_165 = arith.constant 0 : index
      %get3A_166 = vector.load %arg10[%get3A_164, %get3A_165] : memref<2048x256xf32, #tpu.memory_space<vmem>>, vector<512x256xf32>
      %lt3A_167 = vector.broadcast %get3A_0 : i32 to vector<512x1xi32>
      %lt3A_168 = arith.cmpi slt, %add3A_151, %lt3A_167 : vector<512x1xi32>
      %jit3A_169 = arith.constant 0.000000e+00 : f32
      %broadcast_in_dim3A_170 = vector.shape_cast %lt3A_168 : vector<512x1xi1> to vector<512x1xi1>
      %broadcast_in_dim3A_171 = vector.broadcast %broadcast_in_dim3A_170 : vector<512x1xi1> to vector<512x256xi1>
      %broadcast_in_dim3A_172 = vector.broadcast %jit3A_169 : f32 to vector<512x256xf32>
      %select_n3A_173 = arith.select %broadcast_in_dim3A_171, %add3A_163, %broadcast_in_dim3A_172 : vector<512x256xi1>, vector<512x256xf32>
      %add3A_174 = arith.addf %get3A_166, %select_n3A_173 : vector<512x256xf32>
      %swap3A_175 = arith.index_cast %mul3A_147 : i32 to index
      %swap3A_176 = arith.constant 0 : index
      %swap3A_177 = vector.load %arg10[%swap3A_175, %swap3A_176] : memref<2048x256xf32, #tpu.memory_space<vmem>>, vector<512x256xf32>
      tpu.vector_store %arg10[%swap3A_175, %swap3A_176], %add3A_174 {strides = array<i32>} : memref<2048x256xf32, #tpu.memory_space<vmem>>, vector<512x256xf32>,
      %while3A_178 = arith.constant 0 : i32
      scf.yield %while3A_178 : i32
    }
    %jit3A_46 = arith.constant 512 : i32
    %div3A_47 = arith.divsi %get3A_0, %jit3A_46 : i32
    %sign3A_48 = arith.constant 0 : i32
    %sign3A_49 = arith.cmpi sgt, %get3A_0, %sign3A_48 : i32
    %sign3A_50 = arith.extui %sign3A_49 : i1 to i32
    %sign3A_51 = arith.constant 0 : i32
    %sign3A_52 = arith.cmpi slt, %get3A_0, %sign3A_51 : i32
    %sign3A_53 = arith.extui %sign3A_52 : i1 to i32
    %sign3A_54 = arith.subi %sign3A_50, %sign3A_53 : i32
    %sign3A_55 = arith.constant 0 : i32
    %sign3A_56 = arith.cmpi sgt, %jit3A_46, %sign3A_55 : i32
    %sign3A_57 = arith.extui %sign3A_56 : i1 to i32
    %sign3A_58 = arith.constant 0 : i32
    %sign3A_59 = arith.cmpi slt, %jit3A_46, %sign3A_58 : i32
    %sign3A_60 = arith.extui %sign3A_59 : i1 to i32
    %sign3A_61 = arith.subi %sign3A_57, %sign3A_60 : i32
    %ne3A_62 = arith.cmpi ne, %sign3A_54, %sign3A_61 : i32
    %rem3A_63 = arith.remsi %get3A_0, %jit3A_46 : i32
    %ne3A_64 = arith.constant 0 : i32
    %ne3A_65 = arith.cmpi ne, %rem3A_63, %ne3A_64 : i32
    %and3A_66 = arith.andi %ne3A_62, %ne3A_65 : i1
    %sub3A_67 = arith.constant 1 : i32
    %sub3A_68 = arith.subi %div3A_47, %sub3A_67 : i32
    %select_n3A_69 = arith.select %and3A_66, %sub3A_68, %div3A_47 : i32
    %add3A_70 = arith.constant 512 : i32
    %add3A_71 = arith.addi %get3A_2, %add3A_70 : i32
    %sub3A_72 = arith.constant 1 : i32
    %sub3A_73 = arith.subi %add3A_71, %sub3A_72 : i32
    %jit3A_74 = arith.constant 512 : i32
    %div3A_75 = arith.divsi %sub3A_73, %jit3A_74 : i32
    %sign3A_76 = arith.constant 0 : i32
    %sign3A_77 = arith.cmpi sgt, %sub3A_73, %sign3A_76 : i32
    %sign3A_78 = arith.extui %sign3A_77 : i1 to i32
    %sign3A_79 = arith.constant 0 : i32
    %sign3A_80 = arith.cmpi slt, %sub3A_73, %sign3A_79 : i32
    %sign3A_81 = arith.extui %sign3A_80 : i1 to i32
    %sign3A_82 = arith.subi %sign3A_78, %sign3A_81 : i32
    %sign3A_83 = arith.constant 0 : i32
    %sign3A_84 = arith.cmpi sgt, %jit3A_74, %sign3A_83 : i32
    %sign3A_85 = arith.extui %sign3A_84 : i1 to i32
    %sign3A_86 = arith.constant 0 : i32
    %sign3A_87 = arith.cmpi slt, %jit3A_74, %sign3A_86 : i32
    %sign3A_88 = arith.extui %sign3A_87 : i1 to i32
    %sign3A_89 = arith.subi %sign3A_85, %sign3A_88 : i32
    %ne3A_90 = arith.cmpi ne, %sign3A_82, %sign3A_89 : i32
    %rem3A_91 = arith.remsi %sub3A_73, %jit3A_74 : i32
    %ne3A_92 = arith.constant 0 : i32
    %ne3A_93 = arith.cmpi ne, %rem3A_91, %ne3A_92 : i32
    %and3A_94 = arith.andi %ne3A_90, %ne3A_93 : i1
    %sub3A_95 = arith.constant 1 : i32
    %sub3A_96 = arith.subi %div3A_75, %sub3A_95 : i32
    %select_n3A_97 = arith.select %and3A_94, %sub3A_96, %div3A_75 : i32
    %while3A_98 = arith.constant 0 : i32
    %while3A_99 = arith.subi %select_n3A_97, %select_n3A_69 : i32
    %while3A_100 = arith.addi %select_n3A_69, %while3A_99 : i32
    %while3A_101 = arith.constant 1 : i32
    %while3A_102 = arith.divsi %while3A_99, %while3A_101 : i32
    %while3A_103 = arith.muli %while3A_102, %while3A_101 : i32
    %while3A_104 = arith.addi %select_n3A_69, %while3A_103 : i32
    %while3A_105 = arith.constant 1 : i32
    %while3A_106 = scf.for %while3A_145 = %select_n3A_69 to %while3A_104 step %while3A_105 iter_args(%while3A_146 = %while3A_98) -> (i32)  : i32 {
      %mul3A = arith.constant 512 : i32
      %mul3A_147 = arith.muli %while3A_145, %mul3A : i32
      %mul3A_148 = arith.constant 512 : i32
      %mul3A_149 = arith.muli %while3A_145, %mul3A_148 : i32
      %add3A_150 = vector.broadcast %mul3A_149 : i32 to vector<512x1xi32>
      %add3A_151 = arith.addi %iota3A, %add3A_150 : vector<512x1xi32>
      %get3A_152 = arith.index_cast %mul3A_147 : i32 to index
      %get3A_153 = arith.constant 0 : index
      %get3A_154 = vector.load %arg3[%get3A_152, %get3A_153] : memref<2048x4000xbf16, #tpu.memory_space<vmem>>, vector<512x4000xbf16>
      %get3A_155 = arith.constant 0 : index
      %get3A_156 = arith.constant 0 : index
      %get3A_157 = vector.load %arg12[%get3A_155, %get3A_156] : memref<4000x256xbf16, #tpu.memory_space<vmem>>, vector<4000x256xbf16>
      %dot_general3A = arith.constant dense<0.000000e+00> : vector<512x256xf32>
      %dot_general3A_158 = tpu.matmul %get3A_154, %get3A_157, %dot_general3A {dimension_numbers = #tpu.dot_dimension_numbers<[1], [0], [0], [1], [0, 0, 1, 1], [], []>, transpose_lhs_hint = false} : vector<512x4000xbf16>, vector<4000x256xbf16>, vector<512x256xf32> -> vector<512x256xf32>
      %get3A_159 = arith.constant 0 : index
      %get3A_160 = arith.constant 0 : index
      %get3A_161 = vector.load %arg7[%get3A_159, %get3A_160] : memref<1x256xf32, #tpu.memory_space<vmem>>, vector<1x256xf32>
      %add3A_162 = vector.broadcast %get3A_161 : vector<1x256xf32> to vector<512x256xf32>
      %add3A_163 = arith.addf %dot_general3A_158, %add3A_162 : vector<512x256xf32>
      %get3A_164 = arith.index_cast %mul3A_147 : i32 to index
      %get3A_165 = arith.constant 0 : index
      %get3A_166 = vector.load %arg10[%get3A_164, %get3A_165] : memref<2048x256xf32, #tpu.memory_space<vmem>>, vector<512x256xf32>
      %ge3A = vector.broadcast %get3A_0 : i32 to vector<512x1xi32>
      %ge3A_167 = arith.cmpi sge, %add3A_151, %ge3A : vector<512x1xi32>
      %lt3A_168 = vector.broadcast %get3A_2 : i32 to vector<512x1xi32>
      %lt3A_169 = arith.cmpi slt, %add3A_151, %lt3A_168 : vector<512x1xi32>
      %and3A_170 = arith.andi %ge3A_167, %lt3A_169 : vector<512x1xi1>
      %jit3A_171 = arith.constant 0.000000e+00 : f32
      %broadcast_in_dim3A_172 = vector.shape_cast %and3A_170 : vector<512x1xi1> to vector<512x1xi1>
      %broadcast_in_dim3A_173 = vector.broadcast %broadcast_in_dim3A_172 : vector<512x1xi1> to vector<512x256xi1>
      %broadcast_in_dim3A_174 = vector.broadcast %jit3A_171 : f32 to vector<512x256xf32>
      %select_n3A_175 = arith.select %broadcast_in_dim3A_173, %add3A_163, %broadcast_in_dim3A_174 : vector<512x256xi1>, vector<512x256xf32>
      %add3A_176 = arith.addf %get3A_166, %select_n3A_175 : vector<512x256xf32>
      %swap3A_177 = arith.index_cast %mul3A_147 : i32 to index
      %swap3A_178 = arith.constant 0 : index
      %swap3A_179 = vector.load %arg10[%swap3A_177, %swap3A_178] : memref<2048x256xf32, #tpu.memory_space<vmem>>, vector<512x256xf32>
      tpu.vector_store %arg10[%swap3A_177, %swap3A_178], %add3A_176 {strides = array<i32>} : memref<2048x256xf32, #tpu.memory_space<vmem>>, vector<512x256xf32>,
      %while3A_180 = arith.constant 0 : i32
      scf.yield %while3A_180 : i32
    }
    %while3A_107 = arith.constant 1 : i32
    %while3A_108 = scf.for %while3A_145 = %while3A_104 to %while3A_100 step %while3A_107 iter_args(%while3A_146 = %while3A_106) -> (i32)  : i32 {
      %mul3A = arith.constant 512 : i32
      %mul3A_147 = arith.muli %while3A_145, %mul3A : i32
      %mul3A_148 = arith.constant 512 : i32
      %mul3A_149 = arith.muli %while3A_145, %mul3A_148 : i32
      %add3A_150 = vector.broadcast %mul3A_149 : i32 to vector<512x1xi32>
      %add3A_151 = arith.addi %iota3A, %add3A_150 : vector<512x1xi32>
      %get3A_152 = arith.index_cast %mul3A_147 : i32 to index
      %get3A_153 = arith.constant 0 : index
      %get3A_154 = vector.load %arg3[%get3A_152, %get3A_153] : memref<2048x4000xbf16, #tpu.memory_space<vmem>>, vector<512x4000xbf16>
      %get3A_155 = arith.constant 0 : index
      %get3A_156 = arith.constant 0 : index
      %get3A_157 = vector.load %arg12[%get3A_155, %get3A_156] : memref<4000x256xbf16, #tpu.memory_space<vmem>>, vector<4000x256xbf16>
      %dot_general3A = arith.constant dense<0.000000e+00> : vector<512x256xf32>
      %dot_general3A_158 = tpu.matmul %get3A_154, %get3A_157, %dot_general3A {dimension_numbers = #tpu.dot_dimension_numbers<[1], [0], [0], [1], [0, 0, 1, 1], [], []>, transpose_lhs_hint = false} : vector<512x4000xbf16>, vector<4000x256xbf16>, vector<512x256xf32> -> vector<512x256xf32>
      %get3A_159 = arith.constant 0 : index
      %get3A_160 = arith.constant 0 : index
      %get3A_161 = vector.load %arg7[%get3A_159, %get3A_160] : memref<1x256xf32, #tpu.memory_space<vmem>>, vector<1x256xf32>
      %add3A_162 = vector.broadcast %get3A_161 : vector<1x256xf32> to vector<512x256xf32>
      %add3A_163 = arith.addf %dot_general3A_158, %add3A_162 : vector<512x256xf32>
      %get3A_164 = arith.index_cast %mul3A_147 : i32 to index
      %get3A_165 = arith.constant 0 : index
      %get3A_166 = vector.load %arg10[%get3A_164, %get3A_165] : memref<2048x256xf32, #tpu.memory_space<vmem>>, vector<512x256xf32>
      %ge3A = vector.broadcast %get3A_0 : i32 to vector<512x1xi32>
      %ge3A_167 = arith.cmpi sge, %add3A_151, %ge3A : vector<512x1xi32>
      %lt3A_168 = vector.broadcast %get3A_2 : i32 to vector<512x1xi32>
      %lt3A_169 = arith.cmpi slt, %add3A_151, %lt3A_168 : vector<512x1xi32>
      %and3A_170 = arith.andi %ge3A_167, %lt3A_169 : vector<512x1xi1>
      %jit3A_171 = arith.constant 0.000000e+00 : f32
      %broadcast_in_dim3A_172 = vector.shape_cast %and3A_170 : vector<512x1xi1> to vector<512x1xi1>
      %broadcast_in_dim3A_173 = vector.broadcast %broadcast_in_dim3A_172 : vector<512x1xi1> to vector<512x256xi1>
      %broadcast_in_dim3A_174 = vector.broadcast %jit3A_171 : f32 to vector<512x256xf32>
      %select_n3A_175 = arith.select %broadcast_in_dim3A_173, %add3A_163, %broadcast_in_dim3A_174 : vector<512x256xi1>, vector<512x256xf32>
      %add3A_176 = arith.addf %get3A_166, %select_n3A_175 : vector<512x256xf32>
      %swap3A_177 = arith.index_cast %mul3A_147 : i32 to index
      %swap3A_178 = arith.constant 0 : index
      %swap3A_179 = vector.load %arg10[%swap3A_177, %swap3A_178] : memref<2048x256xf32, #tpu.memory_space<vmem>>, vector<512x256xf32>
      tpu.vector_store %arg10[%swap3A_177, %swap3A_178], %add3A_176 {strides = array<i32>} : memref<2048x256xf32, #tpu.memory_space<vmem>>, vector<512x256xf32>,
      %while3A_180 = arith.constant 0 : i32
      scf.yield %while3A_180 : i32
    }
    %jit3A_109 = arith.constant 512 : i32
    %div3A_110 = arith.divsi %get3A_2, %jit3A_109 : i32
    %sign3A_111 = arith.constant 0 : i32
    %sign3A_112 = arith.cmpi sgt, %get3A_2, %sign3A_111 : i32
    %sign3A_113 = arith.extui %sign3A_112 : i1 to i32
    %sign3A_114 = arith.constant 0 : i32
    %sign3A_115 = arith.cmpi slt, %get3A_2, %sign3A_114 : i32
    %sign3A_116 = arith.extui %sign3A_115 : i1 to i32
    %sign3A_117 = arith.subi %sign3A_113, %sign3A_116 : i32
    %sign3A_118 = arith.constant 0 : i32
    %sign3A_119 = arith.cmpi sgt, %jit3A_109, %sign3A_118 : i32
    %sign3A_120 = arith.extui %sign3A_119 : i1 to i32
    %sign3A_121 = arith.constant 0 : i32
    %sign3A_122 = arith.cmpi slt, %jit3A_109, %sign3A_121 : i32
    %sign3A_123 = arith.extui %sign3A_122 : i1 to i32
    %sign3A_124 = arith.subi %sign3A_120, %sign3A_123 : i32
    %ne3A_125 = arith.cmpi ne, %sign3A_117, %sign3A_124 : i32
    %rem3A_126 = arith.remsi %get3A_2, %jit3A_109 : i32
    %ne3A_127 = arith.constant 0 : i32
    %ne3A_128 = arith.cmpi ne, %rem3A_126, %ne3A_127 : i32
    %and3A_129 = arith.andi %ne3A_125, %ne3A_128 : i1
    %sub3A_130 = arith.constant 1 : i32
    %sub3A_131 = arith.subi %div3A_110, %sub3A_130 : i32
    %select_n3A_132 = arith.select %and3A_129, %sub3A_131, %div3A_110 : i32
    %while3A_133 = arith.constant 4 : i32
    %while3A_134 = arith.constant 0 : i32
    %while3A_135 = arith.subi %while3A_133, %select_n3A_132 : i32
    %while3A_136 = arith.addi %select_n3A_132, %while3A_135 : i32
    %while3A_137 = arith.constant 1 : i32
    %while3A_138 = arith.divsi %while3A_135, %while3A_137 : i32
    %while3A_139 = arith.muli %while3A_138, %while3A_137 : i32
    %while3A_140 = arith.addi %select_n3A_132, %while3A_139 : i32
    %while3A_141 = arith.constant 1 : i32
    %while3A_142 = scf.for %while3A_145 = %select_n3A_132 to %while3A_140 step %while3A_141 iter_args(%while3A_146 = %while3A_134) -> (i32)  : i32 {
      %mul3A = arith.constant 512 : i32
      %mul3A_147 = arith.muli %while3A_145, %mul3A : i32
      %mul3A_148 = arith.constant 512 : i32
      %mul3A_149 = arith.muli %while3A_145, %mul3A_148 : i32
      %add3A_150 = vector.broadcast %mul3A_149 : i32 to vector<512x1xi32>
      %add3A_151 = arith.addi %iota3A, %add3A_150 : vector<512x1xi32>
      %get3A_152 = arith.index_cast %mul3A_147 : i32 to index
      %get3A_153 = arith.constant 0 : index
      %get3A_154 = vector.load %arg2[%get3A_152, %get3A_153] : memref<2048x768xbf16, #tpu.memory_space<vmem>>, vector<512x768xbf16>
      %get3A_155 = arith.constant 0 : index
      %get3A_156 = arith.constant 0 : index
      %get3A_157 = vector.load %arg11[%get3A_155, %get3A_156] : memref<768x256xbf16, #tpu.memory_space<vmem>>, vector<768x256xbf16>
      %dot_general3A = arith.constant dense<0.000000e+00> : vector<512x256xf32>
      %dot_general3A_158 = tpu.matmul %get3A_154, %get3A_157, %dot_general3A {dimension_numbers = #tpu.dot_dimension_numbers<[1], [0], [0], [1], [0, 0, 1, 1], [], []>, transpose_lhs_hint = false} : vector<512x768xbf16>, vector<768x256xbf16>, vector<512x256xf32> -> vector<512x256xf32>
      %get3A_159 = arith.index_cast %mul3A_147 : i32 to index
      %get3A_160 = arith.constant 0 : index
      %get3A_161 = vector.load %arg10[%get3A_159, %get3A_160] : memref<2048x256xf32, #tpu.memory_space<vmem>>, vector<512x256xf32>
      %ge3A = vector.broadcast %get3A_2 : i32 to vector<512x1xi32>
      %ge3A_162 = arith.cmpi sge, %add3A_151, %ge3A : vector<512x1xi32>
      %jit3A_163 = arith.constant 0.000000e+00 : f32
      %broadcast_in_dim3A_164 = vector.shape_cast %ge3A_162 : vector<512x1xi1> to vector<512x1xi1>
      %broadcast_in_dim3A_165 = vector.broadcast %broadcast_in_dim3A_164 : vector<512x1xi1> to vector<512x256xi1>
      %broadcast_in_dim3A_166 = vector.broadcast %jit3A_163 : f32 to vector<512x256xf32>
      %select_n3A_167 = arith.select %broadcast_in_dim3A_165, %dot_general3A_158, %broadcast_in_dim3A_166 : vector<512x256xi1>, vector<512x256xf32>
      %add3A_168 = arith.addf %get3A_161, %select_n3A_167 : vector<512x256xf32>
      %swap3A_169 = arith.index_cast %mul3A_147 : i32 to index
      %swap3A_170 = arith.constant 0 : index
      %swap3A_171 = vector.load %arg10[%swap3A_169, %swap3A_170] : memref<2048x256xf32, #tpu.memory_space<vmem>>, vector<512x256xf32>
      tpu.vector_store %arg10[%swap3A_169, %swap3A_170], %add3A_168 {strides = array<i32>} : memref<2048x256xf32, #tpu.memory_space<vmem>>, vector<512x256xf32>,
      %while3A_172 = arith.constant 0 : i32
      scf.yield %while3A_172 : i32
    }
    %while3A_143 = arith.constant 1 : i32
    %while3A_144 = scf.for %while3A_145 = %while3A_140 to %while3A_136 step %while3A_143 iter_args(%while3A_146 = %while3A_142) -> (i32)  : i32 {
      %mul3A = arith.constant 512 : i32
      %mul3A_147 = arith.muli %while3A_145, %mul3A : i32
      %mul3A_148 = arith.constant 512 : i32
      %mul3A_149 = arith.muli %while3A_145, %mul3A_148 : i32
      %add3A_150 = vector.broadcast %mul3A_149 : i32 to vector<512x1xi32>
      %add3A_151 = arith.addi %iota3A, %add3A_150 : vector<512x1xi32>
      %get3A_152 = arith.index_cast %mul3A_147 : i32 to index
      %get3A_153 = arith.constant 0 : index
      %get3A_154 = vector.load %arg2[%get3A_152, %get3A_153] : memref<2048x768xbf16, #tpu.memory_space<vmem>>, vector<512x768xbf16>
      %get3A_155 = arith.constant 0 : index
      %get3A_156 = arith.constant 0 : index
      %get3A_157 = vector.load %arg11[%get3A_155, %get3A_156] : memref<768x256xbf16, #tpu.memory_space<vmem>>, vector<768x256xbf16>
      %dot_general3A = arith.constant dense<0.000000e+00> : vector<512x256xf32>
      %dot_general3A_158 = tpu.matmul %get3A_154, %get3A_157, %dot_general3A {dimension_numbers = #tpu.dot_dimension_numbers<[1], [0], [0], [1], [0, 0, 1, 1], [], []>, transpose_lhs_hint = false} : vector<512x768xbf16>, vector<768x256xbf16>, vector<512x256xf32> -> vector<512x256xf32>
      %get3A_159 = arith.index_cast %mul3A_147 : i32 to index
      %get3A_160 = arith.constant 0 : index
      %get3A_161 = vector.load %arg10[%get3A_159, %get3A_160] : memref<2048x256xf32, #tpu.memory_space<vmem>>, vector<512x256xf32>
      %ge3A = vector.broadcast %get3A_2 : i32 to vector<512x1xi32>
      %ge3A_162 = arith.cmpi sge, %add3A_151, %ge3A : vector<512x1xi32>
      %jit3A_163 = arith.constant 0.000000e+00 : f32
      %broadcast_in_dim3A_164 = vector.shape_cast %ge3A_162 : vector<512x1xi1> to vector<512x1xi1>
      %broadcast_in_dim3A_165 = vector.broadcast %broadcast_in_dim3A_164 : vector<512x1xi1> to vector<512x256xi1>
      %broadcast_in_dim3A_166 = vector.broadcast %jit3A_163 : f32 to vector<512x256xf32>
      %select_n3A_167 = arith.select %broadcast_in_dim3A_165, %dot_general3A_158, %broadcast_in_dim3A_166 : vector<512x256xi1>, vector<512x256xf32>
      %add3A_168 = arith.addf %get3A_161, %select_n3A_167 : vector<512x256xf32>
      %swap3A_169 = arith.index_cast %mul3A_147 : i32 to index
      %swap3A_170 = arith.constant 0 : index
      %swap3A_171 = vector.load %arg10[%swap3A_169, %swap3A_170] : memref<2048x256xf32, #tpu.memory_space<vmem>>, vector<512x256xf32>
      tpu.vector_store %arg10[%swap3A_169, %swap3A_170], %add3A_168 {strides = array<i32>} : memref<2048x256xf32, #tpu.memory_space<vmem>>, vector<512x256xf32>,
      %while3A_172 = arith.constant 0 : i32
      scf.yield %while3A_172 : i32
    }
    return
  }
  func.func @transform_0(%arg0: i32, %arg1: memref<16xi32, #tpu.memory_space<smem>>) -> (i32, i32) {
    %c0_i32 = arith.constant 0 : i32
    %c0_i32_0 = arith.constant 0 : i32
    %c0_i32_1 = arith.constant 0 : i32
    return %c0_i32, %c0_i32_0 : i32, i32
  }
  func.func @transform_1(%arg0: i32, %arg1: memref<16xi32, #tpu.memory_space<smem>>) -> (i32, i32) {
    %c0_i32 = arith.constant 0 : i32
    %c0_i32_0 = arith.constant 0 : i32
    %c0_i32_1 = arith.constant 0 : i32
    return %c0_i32, %c0_i32_0 : i32, i32
  }
  func.func @transform_2(%arg0: i32, %arg1: memref<16xi32, #tpu.memory_space<smem>>) -> (i32, i32) {
    %c0_i32 = arith.constant 0 : i32
    %c0_i32_0 = arith.constant 0 : i32
    %c0_i32_1 = arith.constant 0 : i32
    return %c0_i32, %c0_i32_0 : i32, i32
  }
  func.func @transform_3(%arg0: i32, %arg1: memref<16xi32, #tpu.memory_space<smem>>) -> (i32, i32) {
    %get3A = arith.constant 1 : index
    %get3A_0 = memref.load %arg1[%get3A] : memref<16xi32, #tpu.memory_space<smem>>
    %lt3A = arith.constant 2048 : i32
    %lt3A_1 = arith.cmpi slt, %get3A_0, %lt3A : i32
    %jit3A = arith.constant 0 : i32
    %select_n3A = arith.select %lt3A_1, %arg0, %jit3A : i32
    %c0_i32 = arith.constant 0 : i32
    %c0_i32_2 = arith.constant 0 : i32
    return %c0_i32, %select_n3A : i32, i32
  }
  func.func @transform_4(%arg0: i32, %arg1: memref<16xi32, #tpu.memory_space<smem>>) -> (i32, i32) {
    %get3A = arith.constant 1 : index
    %get3A_0 = memref.load %arg1[%get3A] : memref<16xi32, #tpu.memory_space<smem>>
    %get3A_1 = arith.constant 0 : index
    %get3A_2 = memref.load %arg1[%get3A_1] : memref<16xi32, #tpu.memory_space<smem>>
    %gt3A = arith.cmpi sgt, %get3A_0, %get3A_2 : i32
    %jit3A = arith.constant 0 : i32
    %select_n3A = arith.select %gt3A, %arg0, %jit3A : i32
    %c0_i32 = arith.constant 0 : i32
    %c0_i32_3 = arith.constant 0 : i32
    return %c0_i32, %select_n3A : i32, i32
  }
  func.func @transform_5(%arg0: i32, %arg1: memref<16xi32, #tpu.memory_space<smem>>) -> (i32, i32) {
    %c0_i32 = arith.constant 0 : i32
    %c0_i32_0 = arith.constant 0 : i32
    return %c0_i32, %arg0 : i32, i32
  }
  func.func @transform_6(%arg0: i32, %arg1: memref<16xi32, #tpu.memory_space<smem>>) -> (i32, i32) {
    %get3A = arith.constant 0 : index
    %get3A_0 = memref.load %arg1[%get3A] : memref<16xi32, #tpu.memory_space<smem>>
    %gt3A = arith.constant 0 : i32
    %gt3A_1 = arith.cmpi sgt, %get3A_0, %gt3A : i32
    %jit3A = arith.constant 0 : i32
    %select_n3A = arith.select %gt3A_1, %arg0, %jit3A : i32
    %c0_i32 = arith.constant 0 : i32
    %c0_i32_2 = arith.constant 0 : i32
    return %c0_i32, %select_n3A : i32, i32
  }
  func.func @transform_7(%arg0: i32, %arg1: memref<16xi32, #tpu.memory_space<smem>>) -> (i32, i32) {
    %c0_i32 = arith.constant 0 : i32
    %c0_i32_0 = arith.constant 0 : i32
    return %c0_i32, %arg0 : i32, i32
  }
  func.func @transform_8(%arg0: i32, %arg1: memref<16xi32, #tpu.memory_space<smem>>) -> (i32, i32) {
    %c0_i32 = arith.constant 0 : i32
    %c0_i32_0 = arith.constant 0 : i32
    return %c0_i32, %arg0 : i32, i32
  }
}

</mosaic_0001>

<sc_bundles>
// kernel: kernel.10.cloned.1.call-start
scs
__scs_entry_jumppad:
0x0: {  	(pc) =	sbr.rel $0x88, $3  }
0x1: {  	(tag) =	ssettag $0x0;
	lr =	simm.s32 $0x1  }
0x2: {  	[smem:$0x3F96] =	sst lr;
	_ =	strace $0xD0000000  }
0x3: {  	_ = 	snop  }
0x4: {  	_ = 	snop  }
0x5: {  	_ = 	snop  }
0x6: {  	_ = 	snop  }
0x7: {  	_ = 	snop  }
__scs_overlays_trampoline_lowered:
0x8: {  	[smem:$0x3FA5] =	sst s0  }
0x9: {  	[smem:$0x3FA6] =	sst s1  }
0xa: {  	[smem:$0x3FA7] =	sst s2  }
0xb: {  	[smem:$0x3FA8] =	sst s3  }
0xc: {  	[smem:$0x3FA9] =	sst s4  }
0xd: {  	[smem:$0x3FAA] =	sst s5  }
0xe: {  	[smem:$0x3FAB] =	sst s6  }
0xf: {  	[smem:$0x3FAC] =	sst s7  }
0x10: {  	[smem:$0x3FAD] =	sst s8  }
0x11: {  	[smem:$0x3FAE] =	sst s9;
	s0 =	simm.s32 @!p0 $0x0  }
0x12: {  	s1 =	sld [smem:$0x3F94];
	s0 =	simm.s32 @p0 $0x1  }
0x13: {  	[smem:$0x3FAF] =	sst s0;
	s0 =	simm.s32 @!p1 $0x0  }
0x14: {  	s2 =	sld [smem:$0x3F93];
	s0 =	simm.s32 @p1 $0x1  }
0x15: {  	[smem:$0x3FB0] =	sst s0;
	s0 =	simm.s32 @!p2 $0x0  }
0x16: {  	s3 =	sld [smem:$0x3FDB];
	s0 =	simm.s32 @p2 $0x1  }
0x17: {  	s4 =	simm.s32 $0x1BF5;
	[smem:$0x3FB2] =	sst s0  }
0x18: {  	s0 =	sld [smem:$0x3F95];
	_ =	swait.ge [sflag:s4], $0x0  }
0x19: {  	s7 =	sld [smem:$0x3F96]  }
0x1a: {  	s8 =	sadd.s32 $0xFFFFE003, lr  }
0x1b: {  	s9 =	sadd.s32 $0xFFFFFEF7, lr;
	s5 =	simm.s32 $0xFFFFFFFF;
	p2 =	slt.u32 s8, $0xFFFFF086  }
0x1c: {  	p1 =	slt.u32 s9, $0xF7A;
	s5 =	simm.s32 @!p2 $0x0  }
0x1d: {  	s5 =	simm.s32 @p1 $0x1;
	p0 =	seq.s32 s7, s2  }
0x1e: {  	s7 =	smul.u32 @!p0 $0xF7A, s2;
	p2 =	seq.s32 @!p0 s5, $0x0  }
0x1f: {  	s9 =	smul.u32 $0xF7A, s1;
	s8 =	simm.s32 @!p0 $0x1BF5;
	p2 =	por !p2, p0  }
0x20: {  	[sflag:s8] =	ssyncset.s32 @!p0 $0xFFFFF086;
	s6 =	sadd.s32 @!p0 s3, s7;
	s7 =	simm.s32 @!p0 $0x108  }
0x21: {  	s3 =	sadd.s32 s3, s9;
	s6 =	sadd.s32 @!p0 $0x88, s6;
	s7 =	simm.s32 @p2 $0x1082  }
0x22: {  	[simem:s7], [sflag:s8] =	dma.local @!p0 [hbm:s6], $0xF7A  }
0x23: {  	s9 =	sor.u32 $0xD0000000, s2;
	s6 =	simm.s32 $0x108;
	_ =	swait.ge @!p0 [sflag:s8], $0x0  }
0x24: {  	s3 =	sadd.s32 $0x88, s3;
	s6 =	simm.s32 @!p1 $0x1082;
	[sflag:s4] =	ssyncset.s32 $0xFFFFF086  }
0x25: {  	[simem:s6], [sflag:s4] =	dma.local [hbm:s3], $0xF7A  }
0x26: {  	[smem:$0x3F96] =	sst s1;
	(tag) =	ssettag s2;
	_ =	strace s9  }
0x27: {  	s1 =	sld [smem:$0x3FA6]  }
0x28: {  	s2 =	sld [smem:$0x3FA7]  }
0x29: {  	s4 =	sld [smem:$0x3FA9]  }
0x2a: {  	p0 =	seq.s32 s5, $0x0;
	s5 =	sld [smem:$0x3FAA]  }
0x2b: {  	s6 =	sld [smem:$0x3FAB]  }
0x2c: {  	s7 =	sld [smem:$0x3FAC]  }
0x2d: {  	s3 =	simm.s32 $0x108;
	s8 =	sld [smem:$0x3FAD]  }
0x2e: {  	s3 =	simm.s32 @!p0 $0x1082;
	s9 =	sld [smem:$0x3FAE]  }
0x2f: {  	lr =	sadd.s32 s0, s3;
	s0 =	sld [smem:$0x3FA5]  }
0x30: {  	s3 =	sld [smem:$0x3FA8]  }
0x31: {  	[smem:$0x3FB1] =	sst s10  }
0x32: {  	s10 =	sld [smem:$0x3FAF];
	_ =	sdelay $0x3  }
0x33: {  	p0 =	seq.s32 s10, $0x1;
	s10 =	sld [smem:$0x3FB1];
	_ =	sdelay $0x3  }
0x34: {  	[smem:$0x3FB1] =	sst s10  }
0x35: {  	s10 =	sld [smem:$0x3FB0];
	_ =	sdelay $0x3  }
0x36: {  	p1 =	seq.s32 s10, $0x1;
	s10 =	sld [smem:$0x3FB1];
	_ =	sdelay $0x3  }
0x37: {  	[smem:$0x3FB1] =	sst s10  }
0x38: {  	s10 =	sld [smem:$0x3FB2]  }
0x39: {  	_ = 	snop;
	(pc) =	sbr.ind lr, $3  }
0x3a: {  	_ = 	snop  }
0x3b: {  	_ = 	snop  }
0x3c: {  	p2 =	seq.s32 s10, $0x1;
	s10 =	sld [smem:$0x3FB1]  }
0x3d: {  	_ =	shalt  }
0x3e: {  	_ =	shalt  }
0x3f: {  	_ =	shalt  }
0x40: {  	_ =	shalt  }
0x41: {  	_ =	shalt  }
0x42: {  	_ =	shalt  }
0x43: {  	_ =	shalt  }
0x44: {  	_ =	shalt  }
0x45: {  	_ =	shalt  }
0x46: {  	_ =	shalt  }
0x47: {  	_ =	shalt  }
0x48: {  	_ =	shalt  }
0x49: {  	_ =	shalt  }
0x4a: {  	_ =	shalt  }
0x4b: {  	_ =	shalt  }
0x4c: {  	_ =	shalt  }
0x4d: {  	_ =	shalt  }
0x4e: {  	_ =	shalt  }
0x4f: {  	_ =	shalt  }
0x50: {  	_ =	shalt  }
0x51: {  	_ =	shalt  }
0x52: {  	_ =	shalt  }
0x53: {  	_ =	shalt  }
0x54: {  	_ =	shalt  }
0x55: {  	_ =	shalt  }
0x56: {  	_ =	shalt  }
0x57: {  	_ =	shalt  }
0x58: {  	_ =	shalt  }
0x59: {  	_ =	shalt  }
0x5a: {  	_ =	shalt  }
0x5b: {  	_ =	shalt  }
0x5c: {  	_ =	shalt  }
0x5d: {  	_ =	shalt  }
0x5e: {  	_ =	shalt  }
0x5f: {  	_ =	shalt  }
0x60: {  	_ =	shalt  }
0x61: {  	_ =	shalt  }
0x62: {  	_ =	shalt  }
0x63: {  	_ =	shalt  }
0x64: {  	_ =	shalt  }
0x65: {  	_ =	shalt  }
0x66: {  	_ =	shalt  }
0x67: {  	_ =	shalt  }
0x68: {  	_ =	shalt  }
0x69: {  	_ =	shalt  }
0x6a: {  	_ =	shalt  }
0x6b: {  	_ =	shalt  }
0x6c: {  	_ =	shalt  }
0x6d: {  	_ =	shalt  }
0x6e: {  	_ =	shalt  }
0x6f: {  	_ =	shalt  }
0x70: {  	_ =	shalt  }
0x71: {  	_ =	shalt  }
0x72: {  	_ =	shalt  }
0x73: {  	_ =	shalt  }
0x74: {  	_ =	shalt  }
0x75: {  	_ =	shalt  }
0x76: {  	_ =	shalt  }
0x77: {  	_ =	shalt  }
0x78: {  	_ =	shalt  }
0x79: {  	_ =	shalt  }
0x7a: {  	_ =	shalt  }
0x7b: {  	_ =	shalt  }
0x7c: {  	_ =	shalt  }
0x7d: {  	_ =	shalt  }
0x7e: {  	_ =	shalt  }
0x7f: {  	_ =	shalt  }
0x80: {  	_ =	shalt  }
0x81: {  	_ =	shalt  }
0x82: {  	_ =	shalt  }
0x83: {  	_ =	shalt  }
0x84: {  	_ =	shalt  }
0x85: {  	_ =	shalt  }
0x86: {  	_ =	shalt  }
0x87: {  	_ =	shalt  }
.Lfunc_end0:
.L_simem_size_0:
called_computation.1_lowered:
.L_overlay_start_0:
0x88: {  	s2 =	sld [smem:$0x3FD9]  }
0x89: {  	s3 =	sld [smem:$0x3FFE];
	_ =	sdelay $0x1  }
0x8a: {  	s1 =	srdreg.scid  }
0x8b: {  	s0 =	sand.u32 $0x1, s1  }
0x8c: {  	s17 =	sshll.u32 s0, $0xA;
	s2 =	sadd.s32 s3, s2  }
0x8d: {  	s2 =	sadd.s32 s2, s17  }
0x8e: {  	[smem:$0x3FBD] =	sst s2  }
0x8f: {  	_ = 	snop  }
0x90: {  	s2 =	sld [smem:$0x3FC9]  }
0x91: {  	s18 =	sld [smem:$0x3FD0];
	(tm) =	ssettm $0x1  }
0x92: {  	s4 =	sld [smem:$0x3FFB];
	_ =	sdelay $0x3  }
0x93: {  	_ =	strace s4  }
0x94: {  	s4 =	sld [smem:$0x3FFC];
	_ =	sdelay $0x3  }
0x95: {  	_ =	strace s4  }
0x96: {  	s4 =	sld [smem:$0x3FFD];
	_ =	sdelay $0x3  }
0x97: {  	_ =	strace s4  }
0x98: {  	_ =	strace $0x8FFFFFFF  }
0x99: {  	s19 =	sld [smem:$0x3FDB];
	_ =	sdelay $0x1  }
0x9a: {  	s5 =	simm.s32 $_scs_section_size  }
0x9b: {  	s6 =	simm.s32 $_size__tile_overlayer_lowered;
	s7 =	simm.s32 $_tile_overlayer_lowered  }
0x9c: {  	s22 =	simm.s32 $0x1BFF;
	s21 =	sshll.u32 s7, $0x1;
	s4 =	sadd.s32 s5, s19  }
0x9d: {  	s8 =	simm.s32 $0x0;
	s20 =	sshll.u32 s6, $0x1;
	s6 =	sadd.s32 s21, s4  }
0x9e: {  	[timem:s8], [sflag:s22] =	dma.local [hbm:s6], s20  }
0x9f: {  	_ =	swait.ge [sflag:s22], s20  }
0xa0: {  	s5 =	ssub.s32 $0x0, s20;
	[sflag:s22] =	ssyncset.done $0x0  }
0xa1: {  	[sflag:s22] =	ssyncadd.s32 s5;
	_ =	sdelay $0x1  }
0xa2: {  	s23 =	simm.s32 $0x1B8B  }
0xa3: {  	_ =	swait.ge [sflag:s23], $0x1  }
0xa4: {  	[sflag:s23] =	ssyncset.done $0x0  }
0xa5: {  	s25 =	simm.s32 $0x1B8E;
	s24 =	sld [smem:$0x3FFE];
	[sflag:s23] =	ssyncadd.s32 $0xFFFFFFFF  }
0xa6: {  	s26 =	simm.s32 $execute0_lowered;
	[smem:$0x3FD2] =	sst s25  }
0xa7: {  	s6 =	sshll.u32 s26, $0x1;
	_ =	strace $0x80000049;
	[dreg:$0x1] =	wrdreg $0xFFFFFFFF  }
0xa8: {  	s28 =	simm.s32 $_size_execute0_lowered;
	s4 =	sadd.s32 s4, s6;
	[dreg:$0x0] =	wrdreg $0x0  }
0xa9: {  	s6 =	sshll.u32 s28, $0x1;
	[dreg:$0x2] =	wrdreg s4  }
0xaa: {  	[dreg:$0x3] =	wrdreg s6  }
0xab: {  	[dreg:$0x4] =	wrdreg $0xC0  }
0xac: {  	_ =	task [dreg:s8], $0x5FFFF  }
0xad: {  	[dreg:$0x1] =	wrdreg $0xFFFFFFFF  }
0xae: {  	[dreg:$0x0] =	wrdreg $0x60  }
0xaf: {  	[dreg:$0x2] =	wrdreg s2  }
0xb0: {  	[dreg:$0x3] =	wrdreg s24  }
0xb1: {  	[dreg:$0x4] =	wrdreg s18  }
0xb2: {  	[dreg:$0x5] =	wrdreg $0x9  }
0xb3: {  	_ =	task.clear_ibuf [dreg:s8], $0x6FFFF;
	_ =	strace $0x90000049  }
0xb4: {  	s29 =	simm.s32 $0x9;
	_ =	strace $0x8000004B  }
0xb5: {  	_ =	swait.ge [sflag:s29], $0x1  }
0xb6: {  	[sflag:s29] =	ssyncadd.s32 $0xFFFFFFFF  }
0xb7: {  	_ =	strace $0x9000004B  }
0xb8: {  	_ =	sfence  }
0xb9: {  	s30 =	sld [smem:$0x0];
	_ =	sdelay $0x2  }
0xba: {  	s31 =	sshll.u32 s1, $0xD;
	s1 =	sshrl.u32 s1, $0x2  }
0xbb: {  	s3 =	sand.u32 $0x4000, s31;
	s1 =	sadd.s32 s1, s30  }
0xbc: {  	s0 =	sor.u32 s3, s0;
	s1 =	sshll.u32 s1, $0x11  }
0xbd: {  	s0 =	sor.u32 s1, s0  }
0xbe: {  	s0 =	sadd.s32 $0x8F2B, s0  }
0xbf: {  	[sflag:s0] =	ssyncadd.remote.s32 $0x1  }
0xc0: {  	_ =	sfence.sel $0xFFFF  }
0xc1: {  	[dreg:$0x0] =	wrdreg $0xFFFFFFFF;
	(pc) =	sbr.abs _section_cstart, $3  }
0xc2: {  	[dreg:$0x1] =	wrdreg $0xFFFFFFFF  }
0xc3: {  	_ =	task.clear_ibuf [dreg:s8], $0x2FFFF;
	_ =	strace $0x9FFFFFFF  }
0xc4: {  	(tm) =	ssettm $0x7FFFFFFF  }
0xc5: {  	_ =	shalt  }
tec
execute0_lowered:
.L_overlay_start_1:
0x0: {  	(tag) =	ssettag $0x1  }
0x1: {  	s1 =	rddreg [dreg:$0x0]  }
0x2: {  	s0 =	rddreg [dreg:$0x1]  }
0x3: {  	s5 =	rddreg [dreg:$0x2]  }
0x4: {  	s3 =	srdreg.scid;
	s2 =	stileid.u32;
	s8 =	simm.s32 $0x80  }
0x5: {  	s26 =	simm.s32 $0x880;
	s9 =	simm.s32 $0x1080;
	s10 =	simm.s32 $0x1880  }
0x6: {  	s11 =	simm.s32 $0x2080;
	s12 =	simm.s32 $0x2880;
	s13 =	simm.s32 $0x3080  }
0x7: {  	s14 =	simm.s32 $0x3880;
	s15 =	simm.s32 $0x4080;
	s16 =	simm.s32 $0x4880  }
0x8: {  	s17 =	simm.s32 $0x5080;
	s18 =	simm.s32 $0x5880;
	s19 =	simm.s32 $0x6080  }
0x9: {  	s20 =	simm.s32 $0x6880;
	s21 =	simm.s32 $0x7080;
	s22 =	simm.s32 $0x7880  }
0xa: {  	s23 =	simm.s32 $0x8080;
	s28 =	simm.s32 $0xA080;
	s29 =	simm.s32 $0xA880  }
0xb: {  	s30 =	simm.s32 $0xB080;
	s31 =	simm.s32 $0xB880;
	s4 =	sand.u32 $0x1, s3  }
0xc: {  	s3 =	simm.s32 $0x0;
	s6 =	sshll.u32 s2, $0x4;
	s7 =	sshll.u32 s4, $0x3  }
0xd: {  	[smem:$0x7FF] =	sst s3;
	s4 =	ssub.s32 $0x2, s4;
	s6 =	sor.u32 s7, s6  }
0xe: {  	s24 =	sshrl.u32 s4, $0x1;
	_ =	strace $0x8000004A;
	[dreg:$0x6] =	wrdreg s26  }
0xf: {  	s26 =	simm.s32 $0x9880;
	s0 =	sadd.s32 s6, s0;
	s6 =	smul.u32 $0x300, s6  }
0x10: {  	s7 =	ssub.s32 s4, s24;
	s4 =	sadd.s32 $0x100, s1;
	s0 =	sadd.s32 $0x2C00, s0  }
0x11: {  	v2 =	vlaneseq.u32;
	s24 =	simm.s32 $0x8880;
	[dreg:$0x4] =	wrdreg s0;
	s25 =	sadd.s32 s5, s6  }
0x12: {  	vm0 =	vmmov $0xffff;
	v1 =	vshrl.u32 v2, $0x3;
	s5 =	sadd.s32 $0x200, s1;
	s6 =	smax.u32 s7, $0x1;
	s7 =	simm.s32 $0x2  }
0x13: {  	v0 =	vand.u32 $0x7, v2;
	v2 =	vor.u32 $0x8, v2;
	v1 =	vmul.u32 $0x8, v1;
	s0 =	simm.s32 $0x1;
	[dreg:$0x5] =	wrdreg s25;
	s25 =	simm.s32 $0x9080  }
.LBB2_1:
0x14: {  	s2 =	rddreg [dreg:$0x4]  }
0x15: {  	[tilespmem:s3], [sflag:$0x2] =	stream.linear.gather [hbm4b:s2+s3], $0x40, $0x38;
	[tilespmem:$0xC080] =	vst v63  }
0x16: {  	_ =	swait.ge [sflag:s7], $0x40  }
0x17: {  	[sflag:s7] =	ssyncset.done $0x0  }
0x18: {  	[sflag:s7] =	ssyncadd.s32 $0xFFFFFFC0  }
0x19: {  	v3 =	vld [tilespmem:$0x0];
	_ =	sdelay $0x4  }
0x1a: {  	v4 =	vshrl.u32 v3, $0x3  }
0x1b: {  	v4 =	vmul.u32 $0x30, v4  }
0x1c: {  	v3 =	vand.u32 $0x7, v3  }
0x1d: {  	v3 =	vor.u32 v3, v4  }
0x1e: {  	v4 =	vperm.xlane v3, v0;
	_ =	sdelay $0x1  }
0x1f: {  	v4 =	vadd.s32 v1, v4;
	_ =	sdelay $0x3  }
0x20: {  	v3 =	vperm.xlane v3, v2  }
0x21: {  	[tilespmem:s8], [sflag:$0x1] =	stream.indirect_vreg.gather [hbm4b:s1+s3], $0x80, v4, vm0, $0xb8;
	[tilespmem:$0xC080] =	vst v63  }
0x22: {  	s2 =	rddreg [dreg:$0x6];
	v3 =	vadd.s32 v1, v3  }
0x23: {  	[tilespmem:s2], [sflag:$0x1] =	stream.indirect_vreg.gather [hbm4b:s4+s3], $0x80, v4, vm0, $0xb8;
	[tilespmem:$0xC080] =	vst v63  }
0x24: {  	_ = 	snop  }
0x25: {  	[tilespmem:s9], [sflag:$0x1] =	stream.indirect_vreg.gather [hbm4b:s5+s3], $0x80, v4, vm0, $0xb8;
	[tilespmem:$0xC080] =	vst v63  }
0x26: {  	_ = 	snop  }
0x27: {  	[tilespmem:s10], [sflag:$0x1] =	stream.indirect_vreg.gather [hbm4b:s1+s3], $0x80, v3, vm0, $0xb8;
	[tilespmem:$0xC080] =	vst v63  }
0x28: {  	_ = 	snop  }
0x29: {  	[tilespmem:s11], [sflag:$0x1] =	stream.indirect_vreg.gather [hbm4b:s4+s3], $0x80, v3, vm0, $0xb8;
	[tilespmem:$0xC080] =	vst v63  }
0x2a: {  	_ = 	snop  }
0x2b: {  	[tilespmem:s12], [sflag:$0x1] =	stream.indirect_vreg.gather [hbm4b:s5+s3], $0x80, v3, vm0, $0xb8;
	[tilespmem:$0xC080] =	vst v63  }
0x2c: {  	v3 =	vld [tilespmem:$0x10];
	_ =	sdelay $0x4  }
0x2d: {  	v61 =	vshrl.u32 v3, $0x3  }
0x2e: {  	v4 =	vmul.u32 $0x30, v61  }
0x2f: {  	v3 =	vand.u32 $0x7, v3  }
0x30: {  	v3 =	vor.u32 v3, v4  }
0x31: {  	v4 =	vperm.xlane v3, v0;
	_ =	sdelay $0x1  }
0x32: {  	v4 =	vadd.s32 v1, v4;
	_ =	sdelay $0x3  }
0x33: {  	v3 =	vperm.xlane v3, v2  }
0x34: {  	[tilespmem:s13], [sflag:$0x1] =	stream.indirect_vreg.gather [hbm4b:s1+s3], $0x80, v4, vm0, $0xb8;
	[tilespmem:$0xC080] =	vst v63  }
0x35: {  	v3 =	vadd.s32 v1, v3  }
0x36: {  	[tilespmem:s14], [sflag:$0x1] =	stream.indirect_vreg.gather [hbm4b:s4+s3], $0x80, v4, vm0, $0xb8;
	[tilespmem:$0xC080] =	vst v63  }
0x37: {  	_ = 	snop  }
0x38: {  	[tilespmem:s15], [sflag:$0x1] =	stream.indirect_vreg.gather [hbm4b:s5+s3], $0x80, v4, vm0, $0xb8;
	[tilespmem:$0xC080] =	vst v63  }
0x39: {  	_ = 	snop  }
0x3a: {  	[tilespmem:s16], [sflag:$0x1] =	stream.indirect_vreg.gather [hbm4b:s1+s3], $0x80, v3, vm0, $0xb8;
	[tilespmem:$0xC080] =	vst v63  }
0x3b: {  	_ = 	snop  }
0x3c: {  	[tilespmem:s17], [sflag:$0x1] =	stream.indirect_vreg.gather [hbm4b:s4+s3], $0x80, v3, vm0, $0xb8;
	[tilespmem:$0xC080] =	vst v63  }
0x3d: {  	_ = 	snop  }
0x3e: {  	[tilespmem:s18], [sflag:$0x1] =	stream.indirect_vreg.gather [hbm4b:s5+s3], $0x80, v3, vm0, $0xb8;
	[tilespmem:$0xC080] =	vst v63  }
0x3f: {  	v3 =	vld [tilespmem:$0x20];
	_ =	sdelay $0x4  }
0x40: {  	v62 =	vshrl.u32 v3, $0x3  }
0x41: {  	v4 =	vmul.u32 $0x30, v62  }
0x42: {  	v3 =	vand.u32 $0x7, v3  }
0x43: {  	v3 =	vor.u32 v3, v4  }
0x44: {  	v4 =	vperm.xlane v3, v0;
	_ =	sdelay $0x1  }
0x45: {  	v4 =	vadd.s32 v1, v4;
	_ =	sdelay $0x3  }
0x46: {  	v3 =	vperm.xlane v3, v2  }
0x47: {  	[tilespmem:s19], [sflag:$0x1] =	stream.indirect_vreg.gather [hbm4b:s1+s3], $0x80, v4, vm0, $0xb8;
	[tilespmem:$0xC080] =	vst v63  }
0x48: {  	v3 =	vadd.s32 v1, v3  }
0x49: {  	[tilespmem:s20], [sflag:$0x1] =	stream.indirect_vreg.gather [hbm4b:s4+s3], $0x80, v4, vm0, $0xb8;
	[tilespmem:$0xC080] =	vst v63  }
0x4a: {  	_ = 	snop  }
0x4b: {  	[tilespmem:s21], [sflag:$0x1] =	stream.indirect_vreg.gather [hbm4b:s5+s3], $0x80, v4, vm0, $0xb8;
	[tilespmem:$0xC080] =	vst v63  }
0x4c: {  	_ = 	snop  }
0x4d: {  	[tilespmem:s22], [sflag:$0x1] =	stream.indirect_vreg.gather [hbm4b:s1+s3], $0x80, v3, vm0, $0xb8;
	[tilespmem:$0xC080] =	vst v63  }
0x4e: {  	_ = 	snop  }
0x4f: {  	[tilespmem:s23], [sflag:$0x1] =	stream.indirect_vreg.gather [hbm4b:s4+s3], $0x80, v3, vm0, $0xb8;
	[tilespmem:$0xC080] =	vst v63  }
0x50: {  	_ = 	snop  }
0x51: {  	[tilespmem:s24], [sflag:$0x1] =	stream.indirect_vreg.gather [hbm4b:s5+s3], $0x80, v3, vm0, $0xb8;
	[tilespmem:$0xC080] =	vst v63  }
0x52: {  	v3 =	vld [tilespmem:$0x30];
	_ =	sdelay $0x4  }
0x53: {  	v63 =	vshrl.u32 v3, $0x3  }
0x54: {  	v4 =	vmul.u32 $0x30, v63  }
0x55: {  	v3 =	vand.u32 $0x7, v3  }
0x56: {  	v3 =	vor.u32 v3, v4  }
0x57: {  	v4 =	vperm.xlane v3, v0;
	_ =	sdelay $0x1  }
0x58: {  	v4 =	vadd.s32 v1, v4;
	_ =	sdelay $0x3  }
0x59: {  	v3 =	vperm.xlane v3, v2  }
0x5a: {  	[tilespmem:s25], [sflag:$0x1] =	stream.indirect_vreg.gather [hbm4b:s1+s3], $0x80, v4, vm0, $0xb8;
	[tilespmem:$0xC080] =	vst v63  }
0x5b: {  	v3 =	vadd.s32 v1, v3  }
0x5c: {  	[tilespmem:s26], [sflag:$0x1] =	stream.indirect_vreg.gather [hbm4b:s4+s3], $0x80, v4, vm0, $0xb8;
	[tilespmem:$0xC080] =	vst v63  }
0x5d: {  	_ = 	snop  }
0x5e: {  	[tilespmem:s28], [sflag:$0x1] =	stream.indirect_vreg.gather [hbm4b:s5+s3], $0x80, v4, vm0, $0xb8;
	[tilespmem:$0xC080] =	vst v63  }
0x5f: {  	_ = 	snop  }
0x60: {  	[tilespmem:s29], [sflag:$0x1] =	stream.indirect_vreg.gather [hbm4b:s1+s3], $0x80, v3, vm0, $0xb8;
	[tilespmem:$0xC080] =	vst v63  }
0x61: {  	_ = 	snop  }
0x62: {  	[tilespmem:s30], [sflag:$0x1] =	stream.indirect_vreg.gather [hbm4b:s4+s3], $0x80, v3, vm0, $0xb8;
	[tilespmem:$0xC080] =	vst v63  }
0x63: {  	_ = 	snop  }
0x64: {  	[tilespmem:s31], [sflag:$0x1] =	stream.indirect_vreg.gather [hbm4b:s5+s3], $0x80, v3, vm0, $0xb8;
	[tilespmem:$0xC080] =	vst v63  }
0x65: {  	_ =	swait.ge [sflag:s0], $0xC000  }
0x66: {  	p0 =	sne.s32 s6, $0x1;
	[sflag:s0] =	ssyncset.done $0x0  }
.Ltmp0:
0x67: {  	s2 =	rddreg [dreg:$0x5];
	[sflag:s0] =	ssyncadd.s32 $0xFFFF4000;
	(pc) =	sbr.rel @p0 .LBB2_1-.Ltmp0, $4  }
0x68: {  	[hbm4b:s2+s3] =	stream.linear.scatter [tilespmem:s8], [sflag:$0x2], $0xC000, $0x38;
	[tilespmem:$0xC080] =	vst v63  }
0x69: {  	_ =	swait.ge [sflag:s7], $0xC000  }
0x6a: {  	[sflag:s7] =	ssyncset.done $0x0  }
0x6b: {  	s6 =	sadd.s32 $0xFFFFFFFF, s6;
	[sflag:s7] =	ssyncadd.s32 $0xFFFF4000  }
0x6c: {  	_ =	sfence.sel $0x180000  }
0x6d: {  	[bflag:$0x0] =	sbarrier.arrive $0xFFFF  }
0x6e: {  	_ =	strace $0x9000004A  }
0x6f: {  	s0 =	stileid.u32;
	[bflag:$0x2] =	sbarrier.arrive $0xFFFF  }
0x70: {  	p0 =	sne.s32 s0, $0x0;
	s0 =	rddreg [dreg:$0x3]  }
0x71: {  	s0 =	sadd.s32 @!p0 $0x100000, s0  }
0x72: {  	[sflag:s0] =	ssyncadd.tile.s32 @!p0 $0x1;
	_ =	shalt  }
.Lfunc_end2:
_tile_overlayer_lowered:
.L_overlay_start_2:
0x73: {  	(tag) =	ssettag $0x2  }
0x74: {  	s0 =	rddreg [dreg:$0x0];
	s2 =	stileid.u32  }
0x75: {  	s1 =	rddreg [dreg:$0x1];
	p0 =	sne.s32 s2, $0x0  }
0x76: {  	s3 =	rddreg [dreg:$0x2];
	[bflag:$0x3] =	sbarrier.arrive $0xFFFF;
	s2 =	simm.s32 @!p0 $0x1C02  }
0x77: {  	[timem:s3], [sflag:s2] =	dma.local @!p0 [hbm:s0], s1  }
0x78: {  	s0 =	simm.s32 @!p0 $0x2  }
0x79: {  	_ =	swait.ge @!p0 [sflag:s0], s1  }
0x7a: {  	s1 =	ssub.s32 @!p0 $0x0, s1;
	[sflag:s0] =	ssyncset.done @!p0 $0x0  }
0x7b: {  	[sflag:s0] =	ssyncadd.s32 @!p0 s1  }
0x7c: {  	[bflag:$0x3] =	sbarrier.arrive $0xFFFF  }
0x7d: {  	_ =	shalt  }

// kernel: kernel.13.cloned.1.call-start
scs
__scs_entry_jumppad:
0x0: {  	(pc) =	sbr.rel $0x88, $3  }
0x1: {  	(tag) =	ssettag $0x0;
	lr =	simm.s32 $0x1  }
0x2: {  	[smem:$0x3F96] =	sst lr;
	_ =	strace $0xD0000000  }
0x3: {  	_ = 	snop  }
0x4: {  	_ = 	snop  }
0x5: {  	_ = 	snop  }
0x6: {  	_ = 	snop  }
0x7: {  	_ = 	snop  }
__scs_overlays_trampoline_lowered:
0x8: {  	[smem:$0x3FA5] =	sst s0  }
0x9: {  	[smem:$0x3FA6] =	sst s1  }
0xa: {  	[smem:$0x3FA7] =	sst s2  }
0xb: {  	[smem:$0x3FA8] =	sst s3  }
0xc: {  	[smem:$0x3FA9] =	sst s4  }
0xd: {  	[smem:$0x3FAA] =	sst s5  }
0xe: {  	[smem:$0x3FAB] =	sst s6  }
0xf: {  	[smem:$0x3FAC] =	sst s7  }
0x10: {  	[smem:$0x3FAD] =	sst s8  }
0x11: {  	[smem:$0x3FAE] =	sst s9;
	s0 =	simm.s32 @!p0 $0x0  }
0x12: {  	s1 =	sld [smem:$0x3F94];
	s0 =	simm.s32 @p0 $0x1  }
0x13: {  	[smem:$0x3FAF] =	sst s0;
	s0 =	simm.s32 @!p1 $0x0  }
0x14: {  	s2 =	sld [smem:$0x3F93];
	s0 =	simm.s32 @p1 $0x1  }
0x15: {  	[smem:$0x3FB0] =	sst s0;
	s0 =	simm.s32 @!p2 $0x0  }
0x16: {  	s3 =	sld [smem:$0x3FDB];
	s0 =	simm.s32 @p2 $0x1  }
0x17: {  	s4 =	simm.s32 $0x1BF5;
	[smem:$0x3FB2] =	sst s0  }
0x18: {  	s0 =	sld [smem:$0x3F95];
	_ =	swait.ge [sflag:s4], $0x0  }
0x19: {  	s7 =	sld [smem:$0x3F96]  }
0x1a: {  	s8 =	sadd.s32 $0xFFFFE003, lr  }
0x1b: {  	s9 =	sadd.s32 $0xFFFFFEF7, lr;
	s5 =	simm.s32 $0xFFFFFFFF;
	p2 =	slt.u32 s8, $0xFFFFF086  }
0x1c: {  	p1 =	slt.u32 s9, $0xF7A;
	s5 =	simm.s32 @!p2 $0x0  }
0x1d: {  	s5 =	simm.s32 @p1 $0x1;
	p0 =	seq.s32 s7, s2  }
0x1e: {  	s7 =	smul.u32 @!p0 $0xF7A, s2;
	p2 =	seq.s32 @!p0 s5, $0x0  }
0x1f: {  	s9 =	smul.u32 $0xF7A, s1;
	s8 =	simm.s32 @!p0 $0x1BF5;
	p2 =	por !p2, p0  }
0x20: {  	[sflag:s8] =	ssyncset.s32 @!p0 $0xFFFFF086;
	s6 =	sadd.s32 @!p0 s3, s7;
	s7 =	simm.s32 @!p0 $0x108  }
0x21: {  	s3 =	sadd.s32 s3, s9;
	s6 =	sadd.s32 @!p0 $0x88, s6;
	s7 =	simm.s32 @p2 $0x1082  }
0x22: {  	[simem:s7], [sflag:s8] =	dma.local @!p0 [hbm:s6], $0xF7A  }
0x23: {  	s9 =	sor.u32 $0xD0000000, s2;
	s6 =	simm.s32 $0x108;
	_ =	swait.ge @!p0 [sflag:s8], $0x0  }
0x24: {  	s3 =	sadd.s32 $0x88, s3;
	s6 =	simm.s32 @!p1 $0x1082;
	[sflag:s4] =	ssyncset.s32 $0xFFFFF086  }
0x25: {  	[simem:s6], [sflag:s4] =	dma.local [hbm:s3], $0xF7A  }
0x26: {  	[smem:$0x3F96] =	sst s1;
	(tag) =	ssettag s2;
	_ =	strace s9  }
0x27: {  	s1 =	sld [smem:$0x3FA6]  }
0x28: {  	s2 =	sld [smem:$0x3FA7]  }
0x29: {  	s4 =	sld [smem:$0x3FA9]  }
0x2a: {  	p0 =	seq.s32 s5, $0x0;
	s5 =	sld [smem:$0x3FAA]  }
0x2b: {  	s6 =	sld [smem:$0x3FAB]  }
0x2c: {  	s7 =	sld [smem:$0x3FAC]  }
0x2d: {  	s3 =	simm.s32 $0x108;
	s8 =	sld [smem:$0x3FAD]  }
0x2e: {  	s3 =	simm.s32 @!p0 $0x1082;
	s9 =	sld [smem:$0x3FAE]  }
0x2f: {  	lr =	sadd.s32 s0, s3;
	s0 =	sld [smem:$0x3FA5]  }
0x30: {  	s3 =	sld [smem:$0x3FA8]  }
0x31: {  	[smem:$0x3FB1] =	sst s10  }
0x32: {  	s10 =	sld [smem:$0x3FAF];
	_ =	sdelay $0x3  }
0x33: {  	p0 =	seq.s32 s10, $0x1;
	s10 =	sld [smem:$0x3FB1];
	_ =	sdelay $0x3  }
0x34: {  	[smem:$0x3FB1] =	sst s10  }
0x35: {  	s10 =	sld [smem:$0x3FB0];
	_ =	sdelay $0x3  }
0x36: {  	p1 =	seq.s32 s10, $0x1;
	s10 =	sld [smem:$0x3FB1];
	_ =	sdelay $0x3  }
0x37: {  	[smem:$0x3FB1] =	sst s10  }
0x38: {  	s10 =	sld [smem:$0x3FB2]  }
0x39: {  	_ = 	snop;
	(pc) =	sbr.ind lr, $3  }
0x3a: {  	_ = 	snop  }
0x3b: {  	_ = 	snop  }
0x3c: {  	p2 =	seq.s32 s10, $0x1;
	s10 =	sld [smem:$0x3FB1]  }
0x3d: {  	_ =	shalt  }
0x3e: {  	_ =	shalt  }
0x3f: {  	_ =	shalt  }
0x40: {  	_ =	shalt  }
0x41: {  	_ =	shalt  }
0x42: {  	_ =	shalt  }
0x43: {  	_ =	shalt  }
0x44: {  	_ =	shalt  }
0x45: {  	_ =	shalt  }
0x46: {  	_ =	shalt  }
0x47: {  	_ =	shalt  }
0x48: {  	_ =	shalt  }
0x49: {  	_ =	shalt  }
0x4a: {  	_ =	shalt  }
0x4b: {  	_ =	shalt  }
0x4c: {  	_ =	shalt  }
0x4d: {  	_ =	shalt  }
0x4e: {  	_ =	shalt  }
0x4f: {  	_ =	shalt  }
0x50: {  	_ =	shalt  }
0x51: {  	_ =	shalt  }
0x52: {  	_ =	shalt  }
0x53: {  	_ =	shalt  }
0x54: {  	_ =	shalt  }
0x55: {  	_ =	shalt  }
0x56: {  	_ =	shalt  }
0x57: {  	_ =	shalt  }
0x58: {  	_ =	shalt  }
0x59: {  	_ =	shalt  }
0x5a: {  	_ =	shalt  }
0x5b: {  	_ =	shalt  }
0x5c: {  	_ =	shalt  }
0x5d: {  	_ =	shalt  }
0x5e: {  	_ =	shalt  }
0x5f: {  	_ =	shalt  }
0x60: {  	_ =	shalt  }
0x61: {  	_ =	shalt  }
0x62: {  	_ =	shalt  }
0x63: {  	_ =	shalt  }
0x64: {  	_ =	shalt  }
0x65: {  	_ =	shalt  }
0x66: {  	_ =	shalt  }
0x67: {  	_ =	shalt  }
0x68: {  	_ =	shalt  }
0x69: {  	_ =	shalt  }
0x6a: {  	_ =	shalt  }
0x6b: {  	_ =	shalt  }
0x6c: {  	_ =	shalt  }
0x6d: {  	_ =	shalt  }
0x6e: {  	_ =	shalt  }
0x6f: {  	_ =	shalt  }
0x70: {  	_ =	shalt  }
0x71: {  	_ =	shalt  }
0x72: {  	_ =	shalt  }
0x73: {  	_ =	shalt  }
0x74: {  	_ =	shalt  }
0x75: {  	_ =	shalt  }
0x76: {  	_ =	shalt  }
0x77: {  	_ =	shalt  }
0x78: {  	_ =	shalt  }
0x79: {  	_ =	shalt  }
0x7a: {  	_ =	shalt  }
0x7b: {  	_ =	shalt  }
0x7c: {  	_ =	shalt  }
0x7d: {  	_ =	shalt  }
0x7e: {  	_ =	shalt  }
0x7f: {  	_ =	shalt  }
0x80: {  	_ =	shalt  }
0x81: {  	_ =	shalt  }
0x82: {  	_ =	shalt  }
0x83: {  	_ =	shalt  }
0x84: {  	_ =	shalt  }
0x85: {  	_ =	shalt  }
0x86: {  	_ =	shalt  }
0x87: {  	_ =	shalt  }
.Lfunc_end0:
.L_simem_size_0:
called_computation.2_lowered:
.L_overlay_start_0:
0x88: {  	s2 =	sld [smem:$0x3FD9]  }
0x89: {  	s3 =	sld [smem:$0x3FFE];
	_ =	sdelay $0x1  }
0x8a: {  	s1 =	srdreg.scid  }
0x8b: {  	s0 =	sand.u32 $0x1, s1  }
0x8c: {  	s17 =	sshll.u32 s0, $0xA;
	s2 =	sadd.s32 s3, s2  }
0x8d: {  	s2 =	sadd.s32 s2, s17  }
0x8e: {  	[smem:$0x3FBD] =	sst s2  }
0x8f: {  	_ = 	snop  }
0x90: {  	s2 =	sld [smem:$0x3FD0];
	(tm) =	ssettm $0x1  }
0x91: {  	s18 =	sld [smem:$0x3FFB];
	_ =	sdelay $0x3  }
0x92: {  	_ =	strace s18  }
0x93: {  	s3 =	sld [smem:$0x3FFC];
	_ =	sdelay $0x3  }
0x94: {  	_ =	strace s3  }
0x95: {  	s3 =	sld [smem:$0x3FFD];
	_ =	sdelay $0x3  }
0x96: {  	_ =	strace s3  }
0x97: {  	_ =	strace $0x8FFFFFFF  }
0x98: {  	s19 =	sld [smem:$0x3FDB];
	_ =	sdelay $0x1  }
0x99: {  	s4 =	simm.s32 $_scs_section_size  }
0x9a: {  	s5 =	simm.s32 $_size__tile_overlayer_lowered;
	s6 =	simm.s32 $_tile_overlayer_lowered  }
0x9b: {  	s22 =	simm.s32 $0x1BFF;
	s21 =	sshll.u32 s6, $0x1;
	s3 =	sadd.s32 s4, s19  }
0x9c: {  	s7 =	simm.s32 $0x0;
	s20 =	sshll.u32 s5, $0x1;
	s5 =	sadd.s32 s21, s3  }
0x9d: {  	[timem:s7], [sflag:s22] =	dma.local [hbm:s5], s20  }
0x9e: {  	_ =	swait.ge [sflag:s22], s20  }
0x9f: {  	s4 =	ssub.s32 $0x0, s20;
	[sflag:s22] =	ssyncset.done $0x0  }
0xa0: {  	[sflag:s22] =	ssyncadd.s32 s4;
	_ =	sdelay $0x1  }
0xa1: {  	s23 =	simm.s32 $0x1B8B  }
0xa2: {  	_ =	swait.ge [sflag:s23], $0x1  }
0xa3: {  	[sflag:s23] =	ssyncset.done $0x0  }
0xa4: {  	s25 =	simm.s32 $0x1B8E;
	s24 =	sld [smem:$0x3FFE];
	[sflag:s23] =	ssyncadd.s32 $0xFFFFFFFF  }
0xa5: {  	s26 =	simm.s32 $execute0_lowered;
	[smem:$0x3FD2] =	sst s25  }
0xa6: {  	s5 =	sshll.u32 s26, $0x1;
	_ =	strace $0x8000004C;
	[dreg:$0x1] =	wrdreg $0xFFFFFFFF  }
0xa7: {  	s28 =	simm.s32 $_size_execute0_lowered;
	s3 =	sadd.s32 s3, s5;
	[dreg:$0x0] =	wrdreg $0x0  }
0xa8: {  	s5 =	sshll.u32 s28, $0x1;
	[dreg:$0x2] =	wrdreg s3  }
0xa9: {  	[dreg:$0x3] =	wrdreg s5  }
0xaa: {  	[dreg:$0x4] =	wrdreg $0xC0  }
0xab: {  	_ =	task [dreg:s7], $0x5FFFF  }
0xac: {  	[dreg:$0x1] =	wrdreg $0xFFFFFFFF  }
0xad: {  	[dreg:$0x0] =	wrdreg $0x60  }
0xae: {  	[dreg:$0x2] =	wrdreg s24  }
0xaf: {  	[dreg:$0x3] =	wrdreg s2  }
0xb0: {  	[dreg:$0x4] =	wrdreg $0x9  }
0xb1: {  	_ =	task.clear_ibuf [dreg:s7], $0x5FFFF;
	_ =	strace $0x9000004C  }
0xb2: {  	s29 =	simm.s32 $0x9;
	_ =	strace $0x8000004E  }
0xb3: {  	_ =	swait.ge [sflag:s29], $0x1  }
0xb4: {  	[sflag:s29] =	ssyncadd.s32 $0xFFFFFFFF  }
0xb5: {  	_ =	strace $0x9000004E  }
0xb6: {  	_ =	sfence  }
0xb7: {  	s30 =	sld [smem:$0x0];
	_ =	sdelay $0x2  }
0xb8: {  	s31 =	sshll.u32 s1, $0xD;
	s1 =	sshrl.u32 s1, $0x2  }
0xb9: {  	s3 =	sand.u32 $0x4000, s31;
	s1 =	sadd.s32 s1, s30  }
0xba: {  	s0 =	sor.u32 s3, s0;
	s1 =	sshll.u32 s1, $0x11  }
0xbb: {  	s0 =	sor.u32 s1, s0  }
0xbc: {  	s0 =	sadd.s32 $0x8F2B, s0  }
0xbd: {  	[sflag:s0] =	ssyncadd.remote.s32 $0x1  }
0xbe: {  	_ =	sfence.sel $0xFFFF  }
0xbf: {  	[dreg:$0x0] =	wrdreg $0xFFFFFFFF;
	(pc) =	sbr.abs _section_cstart, $3  }
0xc0: {  	[dreg:$0x1] =	wrdreg $0xFFFFFFFF  }
0xc1: {  	_ =	task.clear_ibuf [dreg:s7], $0x2FFFF;
	_ =	strace $0x9FFFFFFF  }
0xc2: {  	(tm) =	ssettm $0x7FFFFFFF  }
0xc3: {  	_ =	shalt  }
tec
execute0_lowered:
.L_overlay_start_1:
0x0: {  	(tag) =	ssettag $0x1  }
0x1: {  	s2 =	rddreg [dreg:$0x0]  }
0x2: {  	s0 =	rddreg [dreg:$0x1];
	s1 =	simm.s32 $0x0  }
0x3: {  	[smem:$0x7FF] =	sst s1;
	s3 =	sadd.s32 $0xA4200, s2  }
0x4: {  	s12 =	sadd.s32 $0xA4300, s2;
	_ =	strace $0x8000004D;
	[dreg:$0x3] =	wrdreg s3  }
0x5: {  	s13 =	sadd.s32 $0xA4400, s2;
	[dreg:$0x4] =	wrdreg s12  }
0x6: {  	s14 =	sadd.s32 $0xA4500, s2;
	[dreg:$0x5] =	wrdreg s13  }
0x7: {  	s15 =	sadd.s32 $0xA4600, s2;
	[dreg:$0x6] =	wrdreg s14  }
0x8: {  	s16 =	sadd.s32 $0xA4700, s2;
	[dreg:$0x7] =	wrdreg s15  }
0x9: {  	s17 =	sadd.s32 $0xA4800, s2;
	[dreg:$0x8] =	wrdreg s16  }
0xa: {  	s18 =	sadd.s32 $0xA4900, s2;
	[dreg:$0x9] =	wrdreg s17  }
0xb: {  	s19 =	sadd.s32 $0xA4A00, s2;
	[dreg:$0xa] =	wrdreg s18  }
0xc: {  	s20 =	sadd.s32 $0xA4B00, s2;
	[dreg:$0xb] =	wrdreg s19  }
0xd: {  	s21 =	sadd.s32 $0xA4C00, s2;
	[dreg:$0xc] =	wrdreg s20  }
0xe: {  	s22 =	sadd.s32 $0xA4D00, s2;
	[dreg:$0xd] =	wrdreg s21  }
0xf: {  	s23 =	sadd.s32 $0xA4E00, s2;
	[dreg:$0xe] =	wrdreg s22  }
0x10: {  	s24 =	sadd.s32 $0xA4F00, s2;
	[dreg:$0xf] =	wrdreg s23  }
0x11: {  	s25 =	sadd.s32 $0xA5000, s2;
	[dreg:$0x10] =	wrdreg s24  }
0x12: {  	s26 =	sadd.s32 $0xA5100, s2;
	[dreg:$0x11] =	wrdreg s25  }
0x13: {  	s4 =	sadd.s32 $0xA5200, s2;
	[dreg:$0x12] =	wrdreg s26  }
0x14: {  	s5 =	sadd.s32 $0xA5300, s2;
	[dreg:$0x13] =	wrdreg s4  }
0x15: {  	s6 =	sadd.s32 $0xA5400, s2;
	[dreg:$0x14] =	wrdreg s5  }
0x16: {  	s7 =	sadd.s32 $0xA5500, s2;
	[dreg:$0x15] =	wrdreg s6  }
0x17: {  	s8 =	sadd.s32 $0xA5600, s2;
	[dreg:$0x16] =	wrdreg s7  }
0x18: {  	s9 =	sadd.s32 $0xA5700, s2;
	[dreg:$0x17] =	wrdreg s8  }
0x19: {  	s10 =	sadd.s32 $0xA5800, s2;
	[dreg:$0x18] =	wrdreg s9  }
0x1a: {  	s11 =	sadd.s32 $0xA5900, s2;
	[dreg:$0x19] =	wrdreg s10  }
0x1b: {  	[dreg:$0x1a] =	wrdreg s11;
	s12 =	sadd.s32 $0xA5A00, s2  }
0x1c: {  	s13 =	sadd.s32 $0xA5B00, s2;
	[dreg:$0x1b] =	wrdreg s12  }
0x1d: {  	s14 =	sadd.s32 $0xA5C00, s2;
	[dreg:$0x1c] =	wrdreg s13  }
0x1e: {  	s15 =	sadd.s32 $0xA5D00, s2;
	[dreg:$0x1d] =	wrdreg s14  }
0x1f: {  	s16 =	sadd.s32 $0xA5E00, s2;
	[dreg:$0x1e] =	wrdreg s15  }
0x20: {  	s17 =	sadd.s32 $0xA5F00, s2;
	[dreg:$0x1f] =	wrdreg s16  }
0x21: {  	s18 =	sadd.s32 $0xA6000, s2;
	[smem:$0x7B1] =	sst s17  }
0x22: {  	s19 =	sadd.s32 $0xA6100, s2;
	[smem:$0x7B2] =	sst s18  }
0x23: {  	s20 =	sadd.s32 $0xA6200, s2;
	[smem:$0x7B3] =	sst s19  }
0x24: {  	s21 =	sadd.s32 $0xA6300, s2;
	[smem:$0x7B4] =	sst s20  }
0x25: {  	s22 =	sadd.s32 $0xA6400, s2;
	[smem:$0x7B5] =	sst s21  }
0x26: {  	s23 =	sadd.s32 $0xA6500, s2;
	[smem:$0x7B6] =	sst s22  }
0x27: {  	s24 =	sadd.s32 $0xA6600, s2;
	[smem:$0x7B7] =	sst s23  }
0x28: {  	s25 =	sadd.s32 $0xA6700, s2;
	[smem:$0x7B8] =	sst s24  }
0x29: {  	s26 =	sadd.s32 $0xA6800, s2;
	[smem:$0x7B9] =	sst s25  }
0x2a: {  	s4 =	sadd.s32 $0xA6900, s2;
	[smem:$0x7BA] =	sst s26  }
0x2b: {  	s5 =	sadd.s32 $0xA6A00, s2;
	[smem:$0x7BB] =	sst s4  }
0x2c: {  	s6 =	sadd.s32 $0xA6B00, s2;
	[smem:$0x7BC] =	sst s5  }
0x2d: {  	s7 =	sadd.s32 $0xA6C00, s2;
	[smem:$0x7BD] =	sst s6  }
0x2e: {  	s8 =	sadd.s32 $0xA6D00, s2;
	[smem:$0x7BE] =	sst s7  }
0x2f: {  	s9 =	sadd.s32 $0xA6E00, s2;
	[smem:$0x7BF] =	sst s8  }
0x30: {  	s10 =	sadd.s32 $0xA6F00, s2;
	[smem:$0x7C0] =	sst s9  }
0x31: {  	s11 =	sadd.s32 $0xA7000, s2;
	[smem:$0x7C1] =	sst s10  }
0x32: {  	[smem:$0x7C2] =	sst s11;
	s12 =	sadd.s32 $0xA7100, s2  }
0x33: {  	s13 =	sadd.s32 $0xA7200, s2;
	[smem:$0x7C3] =	sst s12  }
0x34: {  	s14 =	sadd.s32 $0xA7300, s2;
	[smem:$0x7C4] =	sst s13  }
0x35: {  	s15 =	sadd.s32 $0xA7400, s2;
	[smem:$0x7C5] =	sst s14  }
0x36: {  	s16 =	sadd.s32 $0xA7500, s2;
	[smem:$0x7C6] =	sst s15  }
0x37: {  	s17 =	sadd.s32 $0xA7600, s2;
	[smem:$0x7C7] =	sst s16  }
0x38: {  	s18 =	sadd.s32 $0xA7700, s2;
	[smem:$0x7C8] =	sst s17  }
0x39: {  	s19 =	sadd.s32 $0xA7800, s2;
	[smem:$0x7C9] =	sst s18  }
0x3a: {  	s20 =	sadd.s32 $0xA7900, s2;
	[smem:$0x7CA] =	sst s19  }
0x3b: {  	s21 =	sadd.s32 $0xA7A00, s2;
	[smem:$0x7CB] =	sst s20  }
0x3c: {  	s22 =	sadd.s32 $0xA7B00, s2;
	[smem:$0x7CC] =	sst s21  }
0x3d: {  	s23 =	sadd.s32 $0xA7C00, s2;
	[smem:$0x7CD] =	sst s22  }
0x3e: {  	s24 =	sadd.s32 $0xA7D00, s2;
	[smem:$0x7CE] =	sst s23  }
0x3f: {  	s25 =	sadd.s32 $0xA7E00, s2;
	[smem:$0x7CF] =	sst s24  }
0x40: {  	s26 =	sadd.s32 $0xA7F00, s2;
	[smem:$0x7D0] =	sst s25  }
0x41: {  	s4 =	sadd.s32 $0xA8000, s2;
	[smem:$0x7D1] =	sst s26  }
0x42: {  	s5 =	simm.s32 $0x880;
	[smem:$0x7D2] =	sst s4  }
0x43: {  	s6 =	simm.s32 $0x1080;
	[smem:$0x7D3] =	sst s5  }
0x44: {  	s7 =	simm.s32 $0x1880;
	[smem:$0x7D4] =	sst s6  }
0x45: {  	s8 =	simm.s32 $0x2080;
	[smem:$0x7D5] =	sst s7  }
0x46: {  	s9 =	simm.s32 $0x2880;
	[smem:$0x7D6] =	sst s8  }
0x47: {  	s10 =	simm.s32 $0x3080;
	[smem:$0x7D7] =	sst s9  }
0x48: {  	s11 =	simm.s32 $0x3880;
	[smem:$0x7D8] =	sst s10  }
0x49: {  	[smem:$0x7D9] =	sst s11;
	s12 =	simm.s32 $0x4080  }
0x4a: {  	s13 =	simm.s32 $0x4880;
	[smem:$0x7DA] =	sst s12  }
0x4b: {  	s14 =	simm.s32 $0x5080;
	[smem:$0x7DB] =	sst s13  }
0x4c: {  	s15 =	simm.s32 $0x5880;
	[smem:$0x7DC] =	sst s14  }
0x4d: {  	s16 =	simm.s32 $0x6080;
	[smem:$0x7DD] =	sst s15  }
0x4e: {  	s17 =	simm.s32 $0x6880;
	[smem:$0x7DE] =	sst s16  }
0x4f: {  	s18 =	simm.s32 $0x7080;
	[smem:$0x7DF] =	sst s17  }
0x50: {  	s19 =	simm.s32 $0x7880;
	[smem:$0x7E0] =	sst s18  }
0x51: {  	s20 =	simm.s32 $0x8080;
	[smem:$0x7E1] =	sst s19  }
0x52: {  	s21 =	simm.s32 $0x8880;
	[smem:$0x7E2] =	sst s20  }
0x53: {  	s22 =	simm.s32 $0x9080;
	[smem:$0x7E3] =	sst s21  }
0x54: {  	s23 =	simm.s32 $0x9880;
	[smem:$0x7E4] =	sst s22  }
0x55: {  	s24 =	simm.s32 $0xA080;
	[smem:$0x7E5] =	sst s23  }
0x56: {  	s25 =	simm.s32 $0xA880;
	[smem:$0x7E6] =	sst s24  }
0x57: {  	s26 =	simm.s32 $0xB080;
	[smem:$0x7E7] =	sst s25  }
0x58: {  	s4 =	simm.s32 $0xB880;
	[smem:$0x7E8] =	sst s26  }
0x59: {  	s5 =	simm.s32 $0xC080;
	[smem:$0x7E9] =	sst s4  }
0x5a: {  	s6 =	simm.s32 $0xC880;
	[smem:$0x7EA] =	sst s5  }
0x5b: {  	s8 =	simm.s32 $0xD080;
	[smem:$0x7EB] =	sst s6  }
0x5c: {  	s9 =	simm.s32 $0xD880;
	[smem:$0x7EC] =	sst s8  }
0x5d: {  	s10 =	simm.s32 $0xE080;
	[smem:$0x7ED] =	sst s9  }
0x5e: {  	s28 =	simm.s32 $0x1E080;
	s11 =	simm.s32 $0xE880;
	[smem:$0x7EE] =	sst s10  }
0x5f: {  	s29 =	simm.s32 $0x1E880;
	[smem:$0x7EF] =	sst s11;
	s12 =	simm.s32 $0xF080  }
0x60: {  	s30 =	simm.s32 $0x1F080;
	s13 =	simm.s32 $0xF880;
	[smem:$0x7F0] =	sst s12  }
0x61: {  	s31 =	simm.s32 $0x1;
	s15 =	simm.s32 $0x10080;
	[smem:$0x7F1] =	sst s13  }
0x62: {  	s7 =	stileid.u32;
	s17 =	simm.s32 $0x10880;
	[smem:$0x7F2] =	sst s15  }
0x63: {  	s4 =	srdreg.scid;
	s18 =	simm.s32 $0x11080;
	[smem:$0x7F3] =	sst s17  }
0x64: {  	s5 =	sshll.u32 s7, $0x4;
	s19 =	simm.s32 $0x11880;
	[smem:$0x7F5] =	sst s18  }
0x65: {  	s21 =	simm.s32 $0x12080;
	s22 =	smul.u32 $0x3E800, s7;
	[smem:$0x7F7] =	sst s19  }
0x66: {  	s23 =	simm.s32 $0x12880;
	s24 =	simm.s32 $0x13080;
	[smem:$0x7F8] =	sst s21  }
0x67: {  	s25 =	simm.s32 $0x13880;
	s26 =	simm.s32 $0x14080;
	[smem:$0x7F9] =	sst s23  }
0x68: {  	s7 =	simm.s32 $0x14880;
	s8 =	simm.s32 $0x15080;
	[smem:$0x7FA] =	sst s24  }
0x69: {  	s9 =	simm.s32 $0x15880;
	s10 =	simm.s32 $0x16080;
	[smem:$0x7FC] =	sst s25  }
0x6a: {  	s11 =	simm.s32 $0x16880;
	s4 =	sand.u32 $0x1, s4;
	[smem:$0x7FD] =	sst s26  }
0x6b: {  	s12 =	simm.s32 $0x17080;
	s13 =	simm.s32 $0x17880;
	s15 =	simm.s32 $0x18880  }
0x6c: {  	s17 =	simm.s32 $0x19880;
	s19 =	simm.s32 $0x1A080;
	s21 =	simm.s32 $0x1B080  }
0x6d: {  	s23 =	simm.s32 $0x1C080;
	s24 =	simm.s32 $0x1C880;
	s25 =	simm.s32 $0x1D080  }
0x6e: {  	s26 =	simm.s32 $0x1D880;
	s6 =	sshll.u32 s4, $0x3;
	s14 =	ssub.s32 $0x2, s4  }
0x6f: {  	s4 =	smul.u32 $0x1F400, s4;
	s0 =	sadd.s32 s22, s0;
	s22 =	simm.s32 $0x1B880  }
0x70: {  	s5 =	sor.u32 s6, s5;
	s16 =	sshrl.u32 s14, $0x1;
	s6 =	simm.s32 $0x80  }
0x71: {  	s2 =	sadd.s32 s5, s2;
	s5 =	ssub.s32 s14, s16;
	s0 =	sadd.s32 s4, s0  }
0x72: {  	v0 =	vlaneseq.u32;
	s14 =	simm.s32 $0x18080;
	s2 =	sadd.s32 $0x3000, s2;
	[smem:$0x7FB] =	sst s0  }
0x73: {  	vm0 =	vmmov $0xff;
	v1 =	vshrl.u32 v0, $0x3;
	s16 =	simm.s32 $0x19080;
	s20 =	smax.u32 s5, $0x1;
	[smem:$0x7F4] =	sst s2  }
0x74: {  	vm1 =	vmmov $0xffff;
	v0 =	vand.u32 $0x7, v0;
	v1 =	vmul.u32 $0x8, v1;
	[smem:$0x7F6] =	sst s20;
	s20 =	simm.s32 $0x1A880;
	s2 =	simm.s32 $0x0  }
.LBB2_1:
0x75: {  	s0 =	sld [smem:$0x7F4];
	_ =	sdelay $0x1  }
0x76: {  	[smem:$0x7B0] =	sst s2;
	s5 =	simm.s32 $0x2  }
0x77: {  	[tilespmem:s1], [sflag:$0x2] =	stream.linear.gather [hbm4b:s0+s1], $0x40, $0x38;
	[tilespmem:$0x1F480] =	vst v63  }
0x78: {  	_ =	swait.ge [sflag:s5], $0x40  }
0x79: {  	[sflag:s5] =	ssyncset.done $0x0  }
0x7a: {  	s4 =	simm.s32 $0x0;
	[sflag:s5] =	ssyncadd.s32 $0xFFFFFFC0  }
0x7b: {  	v2 =	vld.msk [tilespmem:s4+$0x0], $0xff;
	_ =	sdelay $0x4  }
0x7c: {  	v3 =	vshrl.u32 v2, $0x3  }
0x7d: {  	v3 =	vmul.u32 $0x3E8, v3  }
0x7e: {  	v2 =	vand.u32 $0x7, v2  }
0x7f: {  	v2 =	vor.u32 v2, v3  }
0x80: {  	v2 =	vperm.xlane v2, v0;
	_ =	sdelay $0x1  }
0x81: {  	v2 =	vadd.s32 v1, v2  }
0x82: {  	s0 =	sld [smem:$0x7D4]  }
0x83: {  	s18 =	rddreg [dreg:$0x3]  }
0x84: {  	s3 =	sld [smem:$0x7D3]  }
0x85: {  	s4 =	rddreg [dreg:$0x4]  }
0x86: {  	[tilespmem:s6], [sflag:$0x1] =	stream.indirect_vreg.gather [hbm4b:s18+s1], $0x80, v2, vm1, $0xb8;
	[tilespmem:$0x1F480] =	vst v63  }
0x87: {  	s18 =	rddreg [dreg:$0x5]  }
0x88: {  	s6 =	sld [smem:$0x7D6]  }
0x89: {  	[tilespmem:s3], [sflag:$0x1] =	stream.indirect_vreg.gather [hbm4b:s4+s1], $0x80, v2, vm1, $0xb8;
	[tilespmem:$0x1F480] =	vst v63  }
0x8a: {  	s3 =	sld [smem:$0x7D5]  }
0x8b: {  	s4 =	rddreg [dreg:$0x6]  }
0x8c: {  	[tilespmem:s0], [sflag:$0x1] =	stream.indirect_vreg.gather [hbm4b:s18+s1], $0x80, v2, vm1, $0xb8;
	[tilespmem:$0x1F480] =	vst v63  }
0x8d: {  	s18 =	rddreg [dreg:$0x7]  }
0x8e: {  	[tilespmem:s3], [sflag:$0x1] =	stream.indirect_vreg.gather [hbm4b:s4+s1], $0x80, v2, vm1, $0xb8;
	[tilespmem:$0x1F480] =	vst v63  }
0x8f: {  	s3 =	sld [smem:$0x7D7]  }
0x90: {  	s4 =	rddreg [dreg:$0x8]  }
0x91: {  	[tilespmem:s6], [sflag:$0x1] =	stream.indirect_vreg.gather [hbm4b:s18+s1], $0x80, v2, vm1, $0xb8;
	[tilespmem:$0x1F480] =	vst v63  }
0x92: {  	s6 =	sld [smem:$0x7D8]  }
0x93: {  	s18 =	rddreg [dreg:$0x9]  }
0x94: {  	[tilespmem:s3], [sflag:$0x1] =	stream.indirect_vreg.gather [hbm4b:s4+s1], $0x80, v2, vm1, $0xb8;
	[tilespmem:$0x1F480] =	vst v63  }
0x95: {  	s3 =	sld [smem:$0x7D9]  }
0x96: {  	s4 =	rddreg [dreg:$0xa]  }
0x97: {  	[tilespmem:s6], [sflag:$0x1] =	stream.indirect_vreg.gather [hbm4b:s18+s1], $0x80, v2, vm1, $0xb8;
	[tilespmem:$0x1F480] =	vst v63  }
0x98: {  	s6 =	sld [smem:$0x7DA]  }
0x99: {  	s18 =	rddreg [dreg:$0xb]  }
0x9a: {  	[tilespmem:s3], [sflag:$0x1] =	stream.indirect_vreg.gather [hbm4b:s4+s1], $0x80, v2, vm1, $0xb8;
	[tilespmem:$0x1F480] =	vst v63  }
0x9b: {  	s3 =	sld [smem:$0x7DB]  }
0x9c: {  	s4 =	rddreg [dreg:$0xc]  }
0x9d: {  	[tilespmem:s6], [sflag:$0x1] =	stream.indirect_vreg.gather [hbm4b:s18+s1], $0x80, v2, vm1, $0xb8;
	[tilespmem:$0x1F480] =	vst v63  }
0x9e: {  	s6 =	sld [smem:$0x7DC]  }
0x9f: {  	s18 =	rddreg [dreg:$0xd]  }
0xa0: {  	[tilespmem:s3], [sflag:$0x1] =	stream.indirect_vreg.gather [hbm4b:s4+s1], $0x80, v2, vm1, $0xb8;
	[tilespmem:$0x1F480] =	vst v63  }
0xa1: {  	s3 =	sld [smem:$0x7DD]  }
0xa2: {  	s4 =	rddreg [dreg:$0xe]  }
0xa3: {  	[tilespmem:s6], [sflag:$0x1] =	stream.indirect_vreg.gather [hbm4b:s18+s1], $0x80, v2, vm1, $0xb8;
	[tilespmem:$0x1F480] =	vst v63  }
0xa4: {  	s6 =	sld [smem:$0x7DE]  }
0xa5: {  	s18 =	rddreg [dreg:$0xf]  }
0xa6: {  	[tilespmem:s3], [sflag:$0x1] =	stream.indirect_vreg.gather [hbm4b:s4+s1], $0x80, v2, vm1, $0xb8;
	[tilespmem:$0x1F480] =	vst v63  }
0xa7: {  	s3 =	sld [smem:$0x7DF]  }
0xa8: {  	s4 =	rddreg [dreg:$0x10]  }
0xa9: {  	[tilespmem:s6], [sflag:$0x1] =	stream.indirect_vreg.gather [hbm4b:s18+s1], $0x80, v2, vm1, $0xb8;
	[tilespmem:$0x1F480] =	vst v63  }
0xaa: {  	s6 =	sld [smem:$0x7E0]  }
0xab: {  	s18 =	rddreg [dreg:$0x11]  }
0xac: {  	[tilespmem:s3], [sflag:$0x1] =	stream.indirect_vreg.gather [hbm4b:s4+s1], $0x80, v2, vm1, $0xb8;
	[tilespmem:$0x1F480] =	vst v63  }
0xad: {  	s3 =	sld [smem:$0x7E1]  }
0xae: {  	s4 =	rddreg [dreg:$0x12]  }
0xaf: {  	[tilespmem:s6], [sflag:$0x1] =	stream.indirect_vreg.gather [hbm4b:s18+s1], $0x80, v2, vm1, $0xb8;
	[tilespmem:$0x1F480] =	vst v63  }
0xb0: {  	s6 =	sld [smem:$0x7E2]  }
0xb1: {  	s18 =	rddreg [dreg:$0x13]  }
0xb2: {  	[tilespmem:s3], [sflag:$0x1] =	stream.indirect_vreg.gather [hbm4b:s4+s1], $0x80, v2, vm1, $0xb8;
	[tilespmem:$0x1F480] =	vst v63  }
0xb3: {  	s3 =	sld [smem:$0x7E3]  }
0xb4: {  	s4 =	rddreg [dreg:$0x14]  }
0xb5: {  	[tilespmem:s6], [sflag:$0x1] =	stream.indirect_vreg.gather [hbm4b:s18+s1], $0x80, v2, vm1, $0xb8;
	[tilespmem:$0x1F480] =	vst v63  }
0xb6: {  	s6 =	sld [smem:$0x7E4]  }
0xb7: {  	s18 =	rddreg [dreg:$0x15]  }
0xb8: {  	[tilespmem:s3], [sflag:$0x1] =	stream.indirect_vreg.gather [hbm4b:s4+s1], $0x80, v2, vm1, $0xb8;
	[tilespmem:$0x1F480] =	vst v63  }
0xb9: {  	s3 =	sld [smem:$0x7E5]  }
0xba: {  	s4 =	rddreg [dreg:$0x16]  }
0xbb: {  	[tilespmem:s6], [sflag:$0x1] =	stream.indirect_vreg.gather [hbm4b:s18+s1], $0x80, v2, vm1, $0xb8;
	[tilespmem:$0x1F480] =	vst v63  }
0xbc: {  	s6 =	sld [smem:$0x7E6]  }
0xbd: {  	s18 =	rddreg [dreg:$0x17]  }
0xbe: {  	[tilespmem:s3], [sflag:$0x1] =	stream.indirect_vreg.gather [hbm4b:s4+s1], $0x80, v2, vm1, $0xb8;
	[tilespmem:$0x1F480] =	vst v63  }
0xbf: {  	s3 =	sld [smem:$0x7E7]  }
0xc0: {  	s4 =	rddreg [dreg:$0x18]  }
0xc1: {  	[tilespmem:s6], [sflag:$0x1] =	stream.indirect_vreg.gather [hbm4b:s18+s1], $0x80, v2, vm1, $0xb8;
	[tilespmem:$0x1F480] =	vst v63  }
0xc2: {  	s6 =	sld [smem:$0x7E8]  }
0xc3: {  	s18 =	rddreg [dreg:$0x19]  }
0xc4: {  	[tilespmem:s3], [sflag:$0x1] =	stream.indirect_vreg.gather [hbm4b:s4+s1], $0x80, v2, vm1, $0xb8;
	[tilespmem:$0x1F480] =	vst v63  }
0xc5: {  	s3 =	sld [smem:$0x7E9]  }
0xc6: {  	s4 =	rddreg [dreg:$0x1a]  }
0xc7: {  	[tilespmem:s6], [sflag:$0x1] =	stream.indirect_vreg.gather [hbm4b:s18+s1], $0x80, v2, vm1, $0xb8;
	[tilespmem:$0x1F480] =	vst v63  }
0xc8: {  	s6 =	sld [smem:$0x7EA]  }
0xc9: {  	s18 =	rddreg [dreg:$0x1b]  }
0xca: {  	[tilespmem:s3], [sflag:$0x1] =	stream.indirect_vreg.gather [hbm4b:s4+s1], $0x80, v2, vm1, $0xb8;
	[tilespmem:$0x1F480] =	vst v63  }
0xcb: {  	s3 =	sld [smem:$0x7EB]  }
0xcc: {  	s4 =	rddreg [dreg:$0x1c]  }
0xcd: {  	[tilespmem:s6], [sflag:$0x1] =	stream.indirect_vreg.gather [hbm4b:s18+s1], $0x80, v2, vm1, $0xb8;
	[tilespmem:$0x1F480] =	vst v63  }
0xce: {  	s6 =	sld [smem:$0x7EC]  }
0xcf: {  	s18 =	rddreg [dreg:$0x1d]  }
0xd0: {  	[tilespmem:s3], [sflag:$0x1] =	stream.indirect_vreg.gather [hbm4b:s4+s1], $0x80, v2, vm1, $0xb8;
	[tilespmem:$0x1F480] =	vst v63  }
0xd1: {  	s3 =	sld [smem:$0x7ED]  }
0xd2: {  	s4 =	rddreg [dreg:$0x1e]  }
0xd3: {  	[tilespmem:s6], [sflag:$0x1] =	stream.indirect_vreg.gather [hbm4b:s18+s1], $0x80, v2, vm1, $0xb8;
	[tilespmem:$0x1F480] =	vst v63  }
0xd4: {  	s6 =	sld [smem:$0x7EE]  }
0xd5: {  	s18 =	rddreg [dreg:$0x1f]  }
0xd6: {  	[tilespmem:s3], [sflag:$0x1] =	stream.indirect_vreg.gather [hbm4b:s4+s1], $0x80, v2, vm1, $0xb8;
	[tilespmem:$0x1F480] =	vst v63  }
0xd7: {  	s3 =	sld [smem:$0x7EF]  }
0xd8: {  	s4 =	sld [smem:$0x7B1]  }
0xd9: {  	[tilespmem:s6], [sflag:$0x1] =	stream.indirect_vreg.gather [hbm4b:s18+s1], $0x80, v2, vm1, $0xb8;
	[tilespmem:$0x1F480] =	vst v63  }
0xda: {  	s6 =	sld [smem:$0x7F0]  }
0xdb: {  	s18 =	sld [smem:$0x7B2]  }
0xdc: {  	[tilespmem:s3], [sflag:$0x1] =	stream.indirect_vreg.gather [hbm4b:s4+s1], $0x80, v2, vm1, $0xb8;
	[tilespmem:$0x1F480] =	vst v63  }
0xdd: {  	s3 =	sld [smem:$0x7F1]  }
0xde: {  	s4 =	sld [smem:$0x7B3]  }
0xdf: {  	[tilespmem:s6], [sflag:$0x1] =	stream.indirect_vreg.gather [hbm4b:s18+s1], $0x80, v2, vm1, $0xb8;
	[tilespmem:$0x1F480] =	vst v63  }
0xe0: {  	s6 =	sld [smem:$0x7F2]  }
0xe1: {  	s18 =	sld [smem:$0x7B4]  }
0xe2: {  	[tilespmem:s3], [sflag:$0x1] =	stream.indirect_vreg.gather [hbm4b:s4+s1], $0x80, v2, vm1, $0xb8;
	[tilespmem:$0x1F480] =	vst v63  }
0xe3: {  	s3 =	sld [smem:$0x7F3]  }
0xe4: {  	s4 =	sld [smem:$0x7B5]  }
0xe5: {  	[tilespmem:s6], [sflag:$0x1] =	stream.indirect_vreg.gather [hbm4b:s18+s1], $0x80, v2, vm1, $0xb8;
	[tilespmem:$0x1F480] =	vst v63  }
0xe6: {  	s6 =	sld [smem:$0x7F5]  }
0xe7: {  	s18 =	sld [smem:$0x7B6]  }
0xe8: {  	[tilespmem:s3], [sflag:$0x1] =	stream.indirect_vreg.gather [hbm4b:s4+s1], $0x80, v2, vm1, $0xb8;
	[tilespmem:$0x1F480] =	vst v63  }
0xe9: {  	s3 =	sld [smem:$0x7F7]  }
0xea: {  	s4 =	sld [smem:$0x7B7]  }
0xeb: {  	[tilespmem:s6], [sflag:$0x1] =	stream.indirect_vreg.gather [hbm4b:s18+s1], $0x80, v2, vm1, $0xb8;
	[tilespmem:$0x1F480] =	vst v63  }
0xec: {  	s6 =	sld [smem:$0x7F8]  }
0xed: {  	s18 =	sld [smem:$0x7B8]  }
0xee: {  	[tilespmem:s3], [sflag:$0x1] =	stream.indirect_vreg.gather [hbm4b:s4+s1], $0x80, v2, vm1, $0xb8;
	[tilespmem:$0x1F480] =	vst v63  }
0xef: {  	s3 =	sld [smem:$0x7F9]  }
0xf0: {  	s4 =	sld [smem:$0x7B9]  }
0xf1: {  	[tilespmem:s6], [sflag:$0x1] =	stream.indirect_vreg.gather [hbm4b:s18+s1], $0x80, v2, vm1, $0xb8;
	[tilespmem:$0x1F480] =	vst v63  }
0xf2: {  	s6 =	sld [smem:$0x7FA]  }
0xf3: {  	s18 =	sld [smem:$0x7BA]  }
0xf4: {  	[tilespmem:s3], [sflag:$0x1] =	stream.indirect_vreg.gather [hbm4b:s4+s1], $0x80, v2, vm1, $0xb8;
	[tilespmem:$0x1F480] =	vst v63  }
0xf5: {  	s3 =	sld [smem:$0x7FC]  }
0xf6: {  	s4 =	sld [smem:$0x7BB]  }
0xf7: {  	[tilespmem:s6], [sflag:$0x1] =	stream.indirect_vreg.gather [hbm4b:s18+s1], $0x80, v2, vm1, $0xb8;
	[tilespmem:$0x1F480] =	vst v63  }
0xf8: {  	s6 =	sld [smem:$0x7FD]  }
0xf9: {  	s18 =	sld [smem:$0x7BC]  }
0xfa: {  	[tilespmem:s3], [sflag:$0x1] =	stream.indirect_vreg.gather [hbm4b:s4+s1], $0x80, v2, vm1, $0xb8;
	[tilespmem:$0x1F480] =	vst v63  }
0xfb: {  	s4 =	sld [smem:$0x7BD]  }
0xfc: {  	[tilespmem:s6], [sflag:$0x1] =	stream.indirect_vreg.gather [hbm4b:s18+s1], $0x80, v2, vm1, $0xb8;
	[tilespmem:$0x1F480] =	vst v63  }
0xfd: {  	s6 =	sld [smem:$0x7BE]  }
0xfe: {  	[tilespmem:s7], [sflag:$0x1] =	stream.indirect_vreg.gather [hbm4b:s4+s1], $0x80, v2, vm1, $0xb8;
	[tilespmem:$0x1F480] =	vst v63  }
0xff: {  	s7 =	sld [smem:$0x7BF]  }
0x100: {  	[tilespmem:s8], [sflag:$0x1] =	stream.indirect_vreg.gather [hbm4b:s6+s1], $0x80, v2, vm1, $0xb8;
	[tilespmem:$0x1F480] =	vst v63  }
0x101: {  	s8 =	sld [smem:$0x7C0]  }
0x102: {  	[tilespmem:s9], [sflag:$0x1] =	stream.indirect_vreg.gather [hbm4b:s7+s1], $0x80, v2, vm1, $0xb8;
	[tilespmem:$0x1F480] =	vst v63  }
0x103: {  	s9 =	sld [smem:$0x7C1]  }
0x104: {  	[tilespmem:s10], [sflag:$0x1] =	stream.indirect_vreg.gather [hbm4b:s8+s1], $0x80, v2, vm1, $0xb8;
	[tilespmem:$0x1F480] =	vst v63  }
0x105: {  	s10 =	sld [smem:$0x7C2]  }
0x106: {  	[tilespmem:s11], [sflag:$0x1] =	stream.indirect_vreg.gather [hbm4b:s9+s1], $0x80, v2, vm1, $0xb8;
	[tilespmem:$0x1F480] =	vst v63  }
0x107: {  	s11 =	sld [smem:$0x7C3]  }
0x108: {  	[tilespmem:s12], [sflag:$0x1] =	stream.indirect_vreg.gather [hbm4b:s10+s1], $0x80, v2, vm1, $0xb8;
	[tilespmem:$0x1F480] =	vst v63  }
0x109: {  	s12 =	sld [smem:$0x7C4]  }
0x10a: {  	[tilespmem:s13], [sflag:$0x1] =	stream.indirect_vreg.gather [hbm4b:s11+s1], $0x80, v2, vm1, $0xb8;
	[tilespmem:$0x1F480] =	vst v63  }
0x10b: {  	s13 =	sld [smem:$0x7C5]  }
0x10c: {  	[tilespmem:s14], [sflag:$0x1] =	stream.indirect_vreg.gather [hbm4b:s12+s1], $0x80, v2, vm1, $0xb8;
	[tilespmem:$0x1F480] =	vst v63  }
0x10d: {  	s14 =	sld [smem:$0x7C6]  }
0x10e: {  	[tilespmem:s15], [sflag:$0x1] =	stream.indirect_vreg.gather [hbm4b:s13+s1], $0x80, v2, vm1, $0xb8;
	[tilespmem:$0x1F480] =	vst v63  }
0x10f: {  	s15 =	sld [smem:$0x7C7]  }
0x110: {  	[tilespmem:s16], [sflag:$0x1] =	stream.indirect_vreg.gather [hbm4b:s14+s1], $0x80, v2, vm1, $0xb8;
	[tilespmem:$0x1F480] =	vst v63  }
0x111: {  	s16 =	sld [smem:$0x7C8]  }
0x112: {  	[tilespmem:s17], [sflag:$0x1] =	stream.indirect_vreg.gather [hbm4b:s15+s1], $0x80, v2, vm1, $0xb8;
	[tilespmem:$0x1F480] =	vst v63  }
0x113: {  	s18 =	sld [smem:$0x7C9]  }
0x114: {  	[tilespmem:s19], [sflag:$0x1] =	stream.indirect_vreg.gather [hbm4b:s16+s1], $0x80, v2, vm1, $0xb8;
	[tilespmem:$0x1F480] =	vst v63  }
0x115: {  	s19 =	sld [smem:$0x7CA]  }
0x116: {  	[tilespmem:s20], [sflag:$0x1] =	stream.indirect_vreg.gather [hbm4b:s18+s1], $0x80, v2, vm1, $0xb8;
	[tilespmem:$0x1F480] =	vst v63  }
0x117: {  	s20 =	sld [smem:$0x7CB]  }
0x118: {  	[tilespmem:s21], [sflag:$0x1] =	stream.indirect_vreg.gather [hbm4b:s19+s1], $0x80, v2, vm1, $0xb8;
	[tilespmem:$0x1F480] =	vst v63  }
0x119: {  	s21 =	sld [smem:$0x7CC]  }
0x11a: {  	[tilespmem:s22], [sflag:$0x1] =	stream.indirect_vreg.gather [hbm4b:s20+s1], $0x80, v2, vm1, $0xb8;
	[tilespmem:$0x1F480] =	vst v63  }
0x11b: {  	s22 =	sld [smem:$0x7CD]  }
0x11c: {  	[tilespmem:s23], [sflag:$0x1] =	stream.indirect_vreg.gather [hbm4b:s21+s1], $0x80, v2, vm1, $0xb8;
	[tilespmem:$0x1F480] =	vst v63  }
0x11d: {  	s23 =	sld [smem:$0x7CE]  }
0x11e: {  	[tilespmem:s24], [sflag:$0x1] =	stream.indirect_vreg.gather [hbm4b:s22+s1], $0x80, v2, vm1, $0xb8;
	[tilespmem:$0x1F480] =	vst v63  }
0x11f: {  	s24 =	sld [smem:$0x7CF]  }
0x120: {  	[tilespmem:s25], [sflag:$0x1] =	stream.indirect_vreg.gather [hbm4b:s23+s1], $0x80, v2, vm1, $0xb8;
	[tilespmem:$0x1F480] =	vst v63  }
0x121: {  	s25 =	sld [smem:$0x7D0]  }
0x122: {  	[tilespmem:s26], [sflag:$0x1] =	stream.indirect_vreg.gather [hbm4b:s24+s1], $0x80, v2, vm1, $0xb8;
	[tilespmem:$0x1F480] =	vst v63  }
0x123: {  	s26 =	sld [smem:$0x7D1]  }
0x124: {  	[tilespmem:s28], [sflag:$0x1] =	stream.indirect_vreg.gather [hbm4b:s25+s1], $0x80, v2, vm1, $0xb8;
	[tilespmem:$0x1F480] =	vst v63  }
0x125: {  	s28 =	sld [smem:$0x7D2]  }
0x126: {  	[tilespmem:s29], [sflag:$0x1] =	stream.indirect_vreg.gather [hbm4b:s26+s1], $0x80, v2, vm1, $0xb8;
	[tilespmem:$0x1F480] =	vst v63  }
0x127: {  	_ = 	snop  }
0x128: {  	[tilespmem:s30], [sflag:$0x1] =	stream.indirect_vreg.gather [hbm4b:s28+s1], $0x80, v2, vm0, $0xb8;
	[tilespmem:$0x1F480] =	vst v63  }
0x129: {  	_ =	swait.ge [sflag:s31], $0x1F400  }
0x12a: {  	s18 =	sld [smem:$0x7FB]  }
0x12b: {  	[sflag:s31] =	ssyncset.done $0x0  }
0x12c: {  	[sflag:s31] =	ssyncadd.s32 $0xFFFE0C00;
	s31 =	simm.s32 $0x80  }
0x12d: {  	[hbm4b:s18+s1] =	stream.linear.scatter [tilespmem:s31], [sflag:$0x2], $0x1F400, $0x38;
	[tilespmem:$0x1F480] =	vst v63  }
0x12e: {  	_ =	swait.ge [sflag:s5], $0x1F400  }
0x12f: {  	s2 =	simm.s32 $0x20;
	[sflag:s5] =	ssyncset.done $0x0  }
.LBB2_2:
0x130: {  	s0 =	sld [smem:$0x7FD]  }
0x131: {  	s5 =	sld [smem:$0x7FA]  }
0x132: {  	s6 =	sld [smem:$0x7F9]  }
0x133: {  	s7 =	sld [smem:$0x7F8]  }
0x134: {  	s8 =	sld [smem:$0x7F7]  }
0x135: {  	s9 =	sld [smem:$0x7F5]  }
0x136: {  	s10 =	sld [smem:$0x7F3]  }
0x137: {  	s11 =	sld [smem:$0x7F2]  }
0x138: {  	s12 =	sld [smem:$0x7F1]  }
0x139: {  	s13 =	sld [smem:$0x7F0]  }
0x13a: {  	s14 =	sld [smem:$0x7EF]  }
0x13b: {  	s15 =	sld [smem:$0x7EE]  }
0x13c: {  	s16 =	sld [smem:$0x7ED]  }
0x13d: {  	s17 =	sld [smem:$0x7EC]  }
0x13e: {  	s20 =	sld [smem:$0x7EB]  }
0x13f: {  	s21 =	sld [smem:$0x7EA]  }
0x140: {  	s22 =	sld [smem:$0x7E9]  }
0x141: {  	s23 =	sld [smem:$0x7E8]  }
0x142: {  	s24 =	sld [smem:$0x7E7]  }
0x143: {  	s25 =	sld [smem:$0x7E6]  }
0x144: {  	s26 =	sld [smem:$0x7E5]  }
0x145: {  	s28 =	sld [smem:$0x7E4]  }
0x146: {  	s29 =	sld [smem:$0x7E3]  }
0x147: {  	s30 =	sld [smem:$0x7E2]  }
0x148: {  	s3 =	simm.s32 $0x2;
	s31 =	sld [smem:$0x7DF]  }
0x149: {  	[sflag:s3] =	ssyncadd.s32 $0xFFFE0C00;
	s3 =	sld [smem:$0x7FC]  }
0x14a: {  	[smem:$0x7AF] =	sst s0  }
0x14b: {  	[smem:$0x7AD] =	sst s5  }
0x14c: {  	[smem:$0x7AC] =	sst s6  }
0x14d: {  	[smem:$0x7AB] =	sst s7  }
0x14e: {  	[smem:$0x7AA] =	sst s8  }
0x14f: {  	[smem:$0x7A9] =	sst s9  }
0x150: {  	[smem:$0x7A8] =	sst s10  }
0x151: {  	[smem:$0x7A7] =	sst s11  }
0x152: {  	[smem:$0x7A6] =	sst s12  }
0x153: {  	[smem:$0x7A5] =	sst s13  }
0x154: {  	[smem:$0x7A4] =	sst s14  }
0x155: {  	[smem:$0x7A3] =	sst s15  }
0x156: {  	[smem:$0x7A2] =	sst s16  }
0x157: {  	s4 =	smov.u32 s2;
	[smem:$0x7A1] =	sst s17  }
0x158: {  	s0 =	sshra.s32 s4, $0x2;
	s7 =	sld [smem:$0x7E1]  }
0x159: {  	s6 =	sld [smem:$0x7E0];
	v2 =	vld.msk [tilespmem:s0+$0x0], $0xff  }
0x15a: {  	s5 =	sld [smem:$0x7DD]  }
0x15b: {  	s4 =	sld [smem:$0x7DC]  }
0x15c: {  	s8 =	sld [smem:$0x7DA]  }
0x15d: {  	s9 =	sld [smem:$0x7D9]  }
0x15e: {  	s10 =	sld [smem:$0x7D8];
	v3 =	vshrl.u32 v2, $0x3  }
0x15f: {  	s11 =	sld [smem:$0x7D7];
	v3 =	vmul.u32 $0x3E8, v3  }
0x160: {  	s12 =	sld [smem:$0x7D6];
	v2 =	vand.u32 $0x7, v2  }
0x161: {  	s13 =	sld [smem:$0x7D5];
	v2 =	vor.u32 v2, v3  }
0x162: {  	s14 =	sld [smem:$0x7D4];
	v2 =	vperm.xlane v2, v0  }
0x163: {  	s15 =	rddreg [dreg:$0x3]  }
0x164: {  	s16 =	sld [smem:$0x7D3];
	v2 =	vadd.s32 v1, v2  }
0x165: {  	s17 =	rddreg [dreg:$0x4]  }
0x166: {  	[smem:$0x7AE] =	sst s3  }
0x167: {  	s0 =	sld [smem:$0x7DE]  }
0x168: {  	s19 =	simm.s32 $0x80;
	s3 =	sld [smem:$0x7DB]  }
0x169: {  	[tilespmem:s19], [sflag:$0x1] =	stream.indirect_vreg.gather [hbm4b:s15+s1], $0x80, v2, vm1, $0xb8;
	[tilespmem:$0x1F480] =	vst v63  }
0x16a: {  	s15 =	rddreg [dreg:$0x5]  }
0x16b: {  	[tilespmem:s16], [sflag:$0x1] =	stream.indirect_vreg.gather [hbm4b:s17+s1], $0x80, v2, vm1, $0xb8;
	[tilespmem:$0x1F480] =	vst v63  }
0x16c: {  	s19 =	rddreg [dreg:$0x6]  }
0x16d: {  	[tilespmem:s14], [sflag:$0x1] =	stream.indirect_vreg.gather [hbm4b:s15+s1], $0x80, v2, vm1, $0xb8;
	[tilespmem:$0x1F480] =	vst v63  }
0x16e: {  	s14 =	rddreg [dreg:$0x7]  }
0x16f: {  	[tilespmem:s13], [sflag:$0x1] =	stream.indirect_vreg.gather [hbm4b:s19+s1], $0x80, v2, vm1, $0xb8;
	[tilespmem:$0x1F480] =	vst v63  }
0x170: {  	s19 =	rddreg [dreg:$0x8]  }
0x171: {  	[tilespmem:s12], [sflag:$0x1] =	stream.indirect_vreg.gather [hbm4b:s14+s1], $0x80, v2, vm1, $0xb8;
	[tilespmem:$0x1F480] =	vst v63  }
0x172: {  	s12 =	rddreg [dreg:$0x9]  }
0x173: {  	[tilespmem:s11], [sflag:$0x1] =	stream.indirect_vreg.gather [hbm4b:s19+s1], $0x80, v2, vm1, $0xb8;
	[tilespmem:$0x1F480] =	vst v63  }
0x174: {  	s19 =	rddreg [dreg:$0xa]  }
0x175: {  	[tilespmem:s10], [sflag:$0x1] =	stream.indirect_vreg.gather [hbm4b:s12+s1], $0x80, v2, vm1, $0xb8;
	[tilespmem:$0x1F480] =	vst v63  }
0x176: {  	s10 =	rddreg [dreg:$0xb]  }
0x177: {  	[tilespmem:s9], [sflag:$0x1] =	stream.indirect_vreg.gather [hbm4b:s19+s1], $0x80, v2, vm1, $0xb8;
	[tilespmem:$0x1F480] =	vst v63  }
0x178: {  	s19 =	rddreg [dreg:$0xc]  }
0x179: {  	[tilespmem:s8], [sflag:$0x1] =	stream.indirect_vreg.gather [hbm4b:s10+s1], $0x80, v2, vm1, $0xb8;
	[tilespmem:$0x1F480] =	vst v63  }
0x17a: {  	s8 =	rddreg [dreg:$0xd]  }
0x17b: {  	[tilespmem:s3], [sflag:$0x1] =	stream.indirect_vreg.gather [hbm4b:s19+s1], $0x80, v2, vm1, $0xb8;
	[tilespmem:$0x1F480] =	vst v63  }
0x17c: {  	s19 =	rddreg [dreg:$0xe]  }
0x17d: {  	[tilespmem:s4], [sflag:$0x1] =	stream.indirect_vreg.gather [hbm4b:s8+s1], $0x80, v2, vm1, $0xb8;
	[tilespmem:$0x1F480] =	vst v63  }
0x17e: {  	s4 =	rddreg [dreg:$0xf]  }
0x17f: {  	[tilespmem:s5], [sflag:$0x1] =	stream.indirect_vreg.gather [hbm4b:s19+s1], $0x80, v2, vm1, $0xb8;
	[tilespmem:$0x1F480] =	vst v63  }
0x180: {  	s19 =	rddreg [dreg:$0x10]  }
0x181: {  	[tilespmem:s0], [sflag:$0x1] =	stream.indirect_vreg.gather [hbm4b:s4+s1], $0x80, v2, vm1, $0xb8;
	[tilespmem:$0x1F480] =	vst v63  }
0x182: {  	s5 =	rddreg [dreg:$0x12]  }
0x183: {  	[tilespmem:s31], [sflag:$0x1] =	stream.indirect_vreg.gather [hbm4b:s19+s1], $0x80, v2, vm1, $0xb8;
	[tilespmem:$0x1F480] =	vst v63  }
0x184: {  	s4 =	rddreg [dreg:$0x11]  }
0x185: {  	[tilespmem:s6], [sflag:$0x1] =	stream.indirect_vreg.gather [hbm4b:s4+s1], $0x80, v2, vm1, $0xb8;
	[tilespmem:$0x1F480] =	vst v63  }
0x186: {  	s19 =	rddreg [dreg:$0x13]  }
0x187: {  	[tilespmem:s7], [sflag:$0x1] =	stream.indirect_vreg.gather [hbm4b:s5+s1], $0x80, v2, vm1, $0xb8;
	[tilespmem:$0x1F480] =	vst v63  }
0x188: {  	s4 =	rddreg [dreg:$0x14]  }
0x189: {  	[tilespmem:s30], [sflag:$0x1] =	stream.indirect_vreg.gather [hbm4b:s19+s1], $0x80, v2, vm1, $0xb8;
	[tilespmem:$0x1F480] =	vst v63  }
0x18a: {  	s6 =	rddreg [dreg:$0x16]  }
0x18b: {  	[tilespmem:s29], [sflag:$0x1] =	stream.indirect_vreg.gather [hbm4b:s4+s1], $0x80, v2, vm1, $0xb8;
	[tilespmem:$0x1F480] =	vst v63  }
0x18c: {  	s5 =	rddreg [dreg:$0x15]  }
0x18d: {  	[tilespmem:s28], [sflag:$0x1] =	stream.indirect_vreg.gather [hbm4b:s5+s1], $0x80, v2, vm1, $0xb8;
	[tilespmem:$0x1F480] =	vst v63  }
0x18e: {  	s19 =	rddreg [dreg:$0x17]  }
0x18f: {  	[tilespmem:s26], [sflag:$0x1] =	stream.indirect_vreg.gather [hbm4b:s6+s1], $0x80, v2, vm1, $0xb8;
	[tilespmem:$0x1F480] =	vst v63  }
0x190: {  	s4 =	rddreg [dreg:$0x18]  }
0x191: {  	[tilespmem:s25], [sflag:$0x1] =	stream.indirect_vreg.gather [hbm4b:s19+s1], $0x80, v2, vm1, $0xb8;
	[tilespmem:$0x1F480] =	vst v63  }
0x192: {  	s5 =	rddreg [dreg:$0x19]  }
0x193: {  	[tilespmem:s24], [sflag:$0x1] =	stream.indirect_vreg.gather [hbm4b:s4+s1], $0x80, v2, vm1, $0xb8;
	[tilespmem:$0x1F480] =	vst v63  }
0x194: {  	s6 =	rddreg [dreg:$0x1a]  }
0x195: {  	[tilespmem:s23], [sflag:$0x1] =	stream.indirect_vreg.gather [hbm4b:s5+s1], $0x80, v2, vm1, $0xb8;
	[tilespmem:$0x1F480] =	vst v63  }
0x196: {  	s19 =	rddreg [dreg:$0x1b]  }
0x197: {  	[tilespmem:s22], [sflag:$0x1] =	stream.indirect_vreg.gather [hbm4b:s6+s1], $0x80, v2, vm1, $0xb8;
	[tilespmem:$0x1F480] =	vst v63  }
0x198: {  	s4 =	rddreg [dreg:$0x1c]  }
0x199: {  	[tilespmem:s21], [sflag:$0x1] =	stream.indirect_vreg.gather [hbm4b:s19+s1], $0x80, v2, vm1, $0xb8;
	[tilespmem:$0x1F480] =	vst v63  }
0x19a: {  	s19 =	sld [smem:$0x7A1]  }
0x19b: {  	[tilespmem:s20], [sflag:$0x1] =	stream.indirect_vreg.gather [hbm4b:s4+s1], $0x80, v2, vm1, $0xb8;
	[tilespmem:$0x1F480] =	vst v63  }
0x19c: {  	s5 =	rddreg [dreg:$0x1d]  }
0x19d: {  	[tilespmem:s19], [sflag:$0x1] =	stream.indirect_vreg.gather [hbm4b:s5+s1], $0x80, v2, vm1, $0xb8;
	[tilespmem:$0x1F480] =	vst v63  }
0x19e: {  	s5 =	sld [smem:$0x7A2]  }
0x19f: {  	s3 =	sld [smem:$0x7B1]  }
0x1a0: {  	s6 =	rddreg [dreg:$0x1e]  }
0x1a1: {  	[tilespmem:s5], [sflag:$0x1] =	stream.indirect_vreg.gather [hbm4b:s6+s1], $0x80, v2, vm1, $0xb8;
	[tilespmem:$0x1F480] =	vst v63  }
0x1a2: {  	s6 =	sld [smem:$0x7A3]  }
0x1a3: {  	s0 =	rddreg [dreg:$0x1f]  }
0x1a4: {  	s5 =	sld [smem:$0x7A4]  }
0x1a5: {  	[tilespmem:s6], [sflag:$0x1] =	stream.indirect_vreg.gather [hbm4b:s0+s1], $0x80, v2, vm1, $0xb8;
	[tilespmem:$0x1F480] =	vst v63  }
0x1a6: {  	s0 =	sld [smem:$0x7B2]  }
0x1a7: {  	s6 =	sld [smem:$0x7A5]  }
0x1a8: {  	[tilespmem:s5], [sflag:$0x1] =	stream.indirect_vreg.gather [hbm4b:s3+s1], $0x80, v2, vm1, $0xb8;
	[tilespmem:$0x1F480] =	vst v63  }
0x1a9: {  	s3 =	sld [smem:$0x7B3]  }
0x1aa: {  	s5 =	sld [smem:$0x7A6]  }
0x1ab: {  	[tilespmem:s6], [sflag:$0x1] =	stream.indirect_vreg.gather [hbm4b:s0+s1], $0x80, v2, vm1, $0xb8;
	[tilespmem:$0x1F480] =	vst v63  }
0x1ac: {  	s0 =	sld [smem:$0x7B4]  }
0x1ad: {  	s6 =	sld [smem:$0x7A7]  }
0x1ae: {  	[tilespmem:s5], [sflag:$0x1] =	stream.indirect_vreg.gather [hbm4b:s3+s1], $0x80, v2, vm1, $0xb8;
	[tilespmem:$0x1F480] =	vst v63  }
0x1af: {  	s3 =	sld [smem:$0x7B5]  }
0x1b0: {  	s5 =	sld [smem:$0x7A8]  }
0x1b1: {  	[tilespmem:s6], [sflag:$0x1] =	stream.indirect_vreg.gather [hbm4b:s0+s1], $0x80, v2, vm1, $0xb8;
	[tilespmem:$0x1F480] =	vst v63  }
0x1b2: {  	s0 =	sld [smem:$0x7B6]  }
0x1b3: {  	s6 =	sld [smem:$0x7A9]  }
0x1b4: {  	[tilespmem:s5], [sflag:$0x1] =	stream.indirect_vreg.gather [hbm4b:s3+s1], $0x80, v2, vm1, $0xb8;
	[tilespmem:$0x1F480] =	vst v63  }
0x1b5: {  	s3 =	sld [smem:$0x7B7]  }
0x1b6: {  	s5 =	sld [smem:$0x7AA]  }
0x1b7: {  	[tilespmem:s6], [sflag:$0x1] =	stream.indirect_vreg.gather [hbm4b:s0+s1], $0x80, v2, vm1, $0xb8;
	[tilespmem:$0x1F480] =	vst v63  }
0x1b8: {  	s0 =	sld [smem:$0x7B8]  }
0x1b9: {  	s6 =	sld [smem:$0x7AB]  }
0x1ba: {  	[tilespmem:s5], [sflag:$0x1] =	stream.indirect_vreg.gather [hbm4b:s3+s1], $0x80, v2, vm1, $0xb8;
	[tilespmem:$0x1F480] =	vst v63  }
0x1bb: {  	s3 =	sld [smem:$0x7B9]  }
0x1bc: {  	s5 =	sld [smem:$0x7AC]  }
0x1bd: {  	[tilespmem:s6], [sflag:$0x1] =	stream.indirect_vreg.gather [hbm4b:s0+s1], $0x80, v2, vm1, $0xb8;
	[tilespmem:$0x1F480] =	vst v63  }
0x1be: {  	s0 =	sld [smem:$0x7BA]  }
0x1bf: {  	s6 =	sld [smem:$0x7AD]  }
0x1c0: {  	[tilespmem:s5], [sflag:$0x1] =	stream.indirect_vreg.gather [hbm4b:s3+s1], $0x80, v2, vm1, $0xb8;
	[tilespmem:$0x1F480] =	vst v63  }
0x1c1: {  	s3 =	sld [smem:$0x7BB]  }
0x1c2: {  	s5 =	sld [smem:$0x7AE]  }
0x1c3: {  	[tilespmem:s6], [sflag:$0x1] =	stream.indirect_vreg.gather [hbm4b:s0+s1], $0x80, v2, vm1, $0xb8;
	[tilespmem:$0x1F480] =	vst v63  }
0x1c4: {  	s0 =	sld [smem:$0x7BC]  }
0x1c5: {  	s6 =	sld [smem:$0x7AF]  }
0x1c6: {  	[tilespmem:s5], [sflag:$0x1] =	stream.indirect_vreg.gather [hbm4b:s3+s1], $0x80, v2, vm1, $0xb8;
	[tilespmem:$0x1F480] =	vst v63  }
0x1c7: {  	s3 =	sld [smem:$0x7BD]  }
0x1c8: {  	[tilespmem:s6], [sflag:$0x1] =	stream.indirect_vreg.gather [hbm4b:s0+s1], $0x80, v2, vm1, $0xb8;
	[tilespmem:$0x1F480] =	vst v63  }
0x1c9: {  	s7 =	simm.s32 $0x14880;
	s5 =	sld [smem:$0x7BE]  }
0x1ca: {  	[tilespmem:s7], [sflag:$0x1] =	stream.indirect_vreg.gather [hbm4b:s3+s1], $0x80, v2, vm1, $0xb8;
	[tilespmem:$0x1F480] =	vst v63  }
0x1cb: {  	s8 =	simm.s32 $0x15080;
	s6 =	sld [smem:$0x7BF]  }
0x1cc: {  	[tilespmem:s8], [sflag:$0x1] =	stream.indirect_vreg.gather [hbm4b:s5+s1], $0x80, v2, vm1, $0xb8;
	[tilespmem:$0x1F480] =	vst v63  }
0x1cd: {  	s9 =	simm.s32 $0x15880;
	s4 =	sld [smem:$0x7C0]  }
0x1ce: {  	[tilespmem:s9], [sflag:$0x1] =	stream.indirect_vreg.gather [hbm4b:s6+s1], $0x80, v2, vm1, $0xb8;
	[tilespmem:$0x1F480] =	vst v63  }
0x1cf: {  	s10 =	simm.s32 $0x16080;
	s5 =	sld [smem:$0x7C1]  }
0x1d0: {  	[tilespmem:s10], [sflag:$0x1] =	stream.indirect_vreg.gather [hbm4b:s4+s1], $0x80, v2, vm1, $0xb8;
	[tilespmem:$0x1F480] =	vst v63  }
0x1d1: {  	s11 =	simm.s32 $0x16880;
	s6 =	sld [smem:$0x7C2]  }
0x1d2: {  	[tilespmem:s11], [sflag:$0x1] =	stream.indirect_vreg.gather [hbm4b:s5+s1], $0x80, v2, vm1, $0xb8;
	[tilespmem:$0x1F480] =	vst v63  }
0x1d3: {  	s12 =	simm.s32 $0x17080;
	s4 =	sld [smem:$0x7C3]  }
0x1d4: {  	[tilespmem:s12], [sflag:$0x1] =	stream.indirect_vreg.gather [hbm4b:s6+s1], $0x80, v2, vm1, $0xb8;
	[tilespmem:$0x1F480] =	vst v63  }
0x1d5: {  	s13 =	simm.s32 $0x17880;
	s5 =	sld [smem:$0x7C4]  }
0x1d6: {  	[tilespmem:s13], [sflag:$0x1] =	stream.indirect_vreg.gather [hbm4b:s4+s1], $0x80, v2, vm1, $0xb8;
	[tilespmem:$0x1F480] =	vst v63  }
0x1d7: {  	s14 =	simm.s32 $0x18080;
	s6 =	sld [smem:$0x7C5]  }
0x1d8: {  	[tilespmem:s14], [sflag:$0x1] =	stream.indirect_vreg.gather [hbm4b:s5+s1], $0x80, v2, vm1, $0xb8;
	[tilespmem:$0x1F480] =	vst v63  }
0x1d9: {  	s15 =	simm.s32 $0x18880;
	s4 =	sld [smem:$0x7C6]  }
0x1da: {  	[tilespmem:s15], [sflag:$0x1] =	stream.indirect_vreg.gather [hbm4b:s6+s1], $0x80, v2, vm1, $0xb8;
	[tilespmem:$0x1F480] =	vst v63  }
0x1db: {  	s16 =	simm.s32 $0x19080;
	s5 =	sld [smem:$0x7C7]  }
0x1dc: {  	[tilespmem:s16], [sflag:$0x1] =	stream.indirect_vreg.gather [hbm4b:s4+s1], $0x80, v2, vm1, $0xb8;
	[tilespmem:$0x1F480] =	vst v63  }
0x1dd: {  	s17 =	simm.s32 $0x19880;
	s6 =	sld [smem:$0x7C8]  }
0x1de: {  	[tilespmem:s17], [sflag:$0x1] =	stream.indirect_vreg.gather [hbm4b:s5+s1], $0x80, v2, vm1, $0xb8;
	[tilespmem:$0x1F480] =	vst v63  }
0x1df: {  	s19 =	simm.s32 $0x1A080;
	s4 =	sld [smem:$0x7C9]  }
0x1e0: {  	[tilespmem:s19], [sflag:$0x1] =	stream.indirect_vreg.gather [hbm4b:s6+s1], $0x80, v2, vm1, $0xb8;
	[tilespmem:$0x1F480] =	vst v63  }
0x1e1: {  	s20 =	simm.s32 $0x1A880;
	s5 =	sld [smem:$0x7CA]  }
0x1e2: {  	[tilespmem:s20], [sflag:$0x1] =	stream.indirect_vreg.gather [hbm4b:s4+s1], $0x80, v2, vm1, $0xb8;
	[tilespmem:$0x1F480] =	vst v63  }
0x1e3: {  	s21 =	simm.s32 $0x1B080;
	s6 =	sld [smem:$0x7CB]  }
0x1e4: {  	[tilespmem:s21], [sflag:$0x1] =	stream.indirect_vreg.gather [hbm4b:s5+s1], $0x80, v2, vm1, $0xb8;
	[tilespmem:$0x1F480] =	vst v63  }
0x1e5: {  	s22 =	simm.s32 $0x1B880;
	s4 =	sld [smem:$0x7CC]  }
0x1e6: {  	[tilespmem:s22], [sflag:$0x1] =	stream.indirect_vreg.gather [hbm4b:s6+s1], $0x80, v2, vm1, $0xb8;
	[tilespmem:$0x1F480] =	vst v63  }
0x1e7: {  	s23 =	simm.s32 $0x1C080;
	s5 =	sld [smem:$0x7CD]  }
0x1e8: {  	[tilespmem:s23], [sflag:$0x1] =	stream.indirect_vreg.gather [hbm4b:s4+s1], $0x80, v2, vm1, $0xb8;
	[tilespmem:$0x1F480] =	vst v63  }
0x1e9: {  	s24 =	simm.s32 $0x1C880;
	s6 =	sld [smem:$0x7CE]  }
0x1ea: {  	[tilespmem:s24], [sflag:$0x1] =	stream.indirect_vreg.gather [hbm4b:s5+s1], $0x80, v2, vm1, $0xb8;
	[tilespmem:$0x1F480] =	vst v63  }
0x1eb: {  	s25 =	simm.s32 $0x1D080;
	s4 =	sld [smem:$0x7CF]  }
0x1ec: {  	[tilespmem:s25], [sflag:$0x1] =	stream.indirect_vreg.gather [hbm4b:s6+s1], $0x80, v2, vm1, $0xb8;
	[tilespmem:$0x1F480] =	vst v63  }
0x1ed: {  	s26 =	simm.s32 $0x1D880;
	s5 =	sld [smem:$0x7D0]  }
0x1ee: {  	[tilespmem:s26], [sflag:$0x1] =	stream.indirect_vreg.gather [hbm4b:s4+s1], $0x80, v2, vm1, $0xb8;
	[tilespmem:$0x1F480] =	vst v63  }
0x1ef: {  	s28 =	simm.s32 $0x1E080;
	s6 =	sld [smem:$0x7D1]  }
0x1f0: {  	[tilespmem:s28], [sflag:$0x1] =	stream.indirect_vreg.gather [hbm4b:s5+s1], $0x80, v2, vm1, $0xb8;
	[tilespmem:$0x1F480] =	vst v63  }
0x1f1: {  	s29 =	simm.s32 $0x1E880;
	s4 =	sld [smem:$0x7D2]  }
0x1f2: {  	[tilespmem:s29], [sflag:$0x1] =	stream.indirect_vreg.gather [hbm4b:s6+s1], $0x80, v2, vm1, $0xb8;
	[tilespmem:$0x1F480] =	vst v63  }
0x1f3: {  	s31 =	simm.s32 $0x1;
	s30 =	simm.s32 $0x1F080  }
0x1f4: {  	[tilespmem:s30], [sflag:$0x1] =	stream.indirect_vreg.gather [hbm4b:s4+s1], $0x80, v2, vm0, $0xb8;
	[tilespmem:$0x1F480] =	vst v63  }
0x1f5: {  	p0 =	sne.s32 s2, $0xE0;
	_ =	swait.ge [sflag:s31], $0x1F400  }
.Ltmp0:
0x1f6: {  	s18 =	sadd.s32 $0x3E80, s18;
	[sflag:s31] =	ssyncset.done $0x0;
	(pc) =	sbr.rel @p0 .LBB2_2-.Ltmp0, $4  }
0x1f7: {  	s5 =	simm.s32 $0x80;
	s6 =	simm.s32 $0x2;
	[sflag:s31] =	ssyncadd.s32 $0xFFFE0C00  }
0x1f8: {  	[hbm4b:s18+s1] =	stream.linear.scatter [tilespmem:s5], [sflag:$0x2], $0x1F400, $0x38;
	[tilespmem:$0x1F480] =	vst v63  }
0x1f9: {  	_ =	swait.ge [sflag:s6], $0x1F400  }
0x1fa: {  	s2 =	sadd.s32 $0x20, s2;
	s3 =	simm.s32 $0x2;
	[sflag:s6] =	ssyncset.done $0x0  }
0x1fb: {  	s2 =	sld [smem:$0x7B0]  }
0x1fc: {  	s0 =	sld [smem:$0x7F6];
	_ =	sdelay $0x1  }
0x1fd: {  	s2 =	sadd.s32 $0x1, s2  }
0x1fe: {  	p0 =	sne.s32 s2, s0  }
.Ltmp1:
0x1ff: {  	_ = 	snop;
	(pc) =	sbr.rel @p0 .LBB2_1-.Ltmp1, $2  }
0x200: {  	_ =	sdelay $0x2  }
0x201: {  	[sflag:s3] =	ssyncadd.s32 $0xFFFE0C00;
	s6 =	simm.s32 $0x80  }
0x202: {  	_ =	sfence.sel $0x180000  }
0x203: {  	[bflag:$0x0] =	sbarrier.arrive $0xFFFF  }
0x204: {  	_ =	strace $0x9000004D  }
0x205: {  	s0 =	stileid.u32;
	[bflag:$0x2] =	sbarrier.arrive $0xFFFF  }
0x206: {  	p0 =	sne.s32 s0, $0x0;
	s0 =	rddreg [dreg:$0x2]  }
0x207: {  	s0 =	sadd.s32 @!p0 $0x100000, s0  }
0x208: {  	[sflag:s0] =	ssyncadd.tile.s32 @!p0 $0x1;
	_ =	shalt  }
.Lfunc_end2:
_tile_overlayer_lowered:
.L_overlay_start_2:
0x209: {  	(tag) =	ssettag $0x2  }
0x20a: {  	s0 =	rddreg [dreg:$0x0];
	s2 =	stileid.u32  }
0x20b: {  	s1 =	rddreg [dreg:$0x1];
	p0 =	sne.s32 s2, $0x0  }
0x20c: {  	s3 =	rddreg [dreg:$0x2];
	[bflag:$0x3] =	sbarrier.arrive $0xFFFF;
	s2 =	simm.s32 @!p0 $0x1C02  }
0x20d: {  	[timem:s3], [sflag:s2] =	dma.local @!p0 [hbm:s0], s1  }
0x20e: {  	s0 =	simm.s32 @!p0 $0x2  }
0x20f: {  	_ =	swait.ge @!p0 [sflag:s0], s1  }
0x210: {  	s1 =	ssub.s32 @!p0 $0x0, s1;
	[sflag:s0] =	ssyncset.done @!p0 $0x0  }
0x211: {  	[sflag:s0] =	ssyncadd.s32 @!p0 s1  }
0x212: {  	[bflag:$0x3] =	sbarrier.arrive $0xFFFF  }
0x213: {  	_ =	shalt  }

// kernel: kernel.7.cloned.1.call-start
scs
__scs_entry_jumppad:
0x0: {  	(pc) =	sbr.rel $0x88, $3  }
0x1: {  	(tag) =	ssettag $0x0;
	lr =	simm.s32 $0x1  }
0x2: {  	[smem:$0x3F96] =	sst lr;
	_ =	strace $0xD0000000  }
0x3: {  	_ = 	snop  }
0x4: {  	_ = 	snop  }
0x5: {  	_ = 	snop  }
0x6: {  	_ = 	snop  }
0x7: {  	_ = 	snop  }
__scs_overlays_trampoline_lowered:
0x8: {  	[smem:$0x3FA5] =	sst s0  }
0x9: {  	[smem:$0x3FA6] =	sst s1  }
0xa: {  	[smem:$0x3FA7] =	sst s2  }
0xb: {  	[smem:$0x3FA8] =	sst s3  }
0xc: {  	[smem:$0x3FA9] =	sst s4  }
0xd: {  	[smem:$0x3FAA] =	sst s5  }
0xe: {  	[smem:$0x3FAB] =	sst s6  }
0xf: {  	[smem:$0x3FAC] =	sst s7  }
0x10: {  	[smem:$0x3FAD] =	sst s8  }
0x11: {  	[smem:$0x3FAE] =	sst s9;
	s0 =	simm.s32 @!p0 $0x0  }
0x12: {  	s1 =	sld [smem:$0x3F94];
	s0 =	simm.s32 @p0 $0x1  }
0x13: {  	[smem:$0x3FAF] =	sst s0;
	s0 =	simm.s32 @!p1 $0x0  }
0x14: {  	s2 =	sld [smem:$0x3F93];
	s0 =	simm.s32 @p1 $0x1  }
0x15: {  	[smem:$0x3FB0] =	sst s0;
	s0 =	simm.s32 @!p2 $0x0  }
0x16: {  	s3 =	sld [smem:$0x3FDB];
	s0 =	simm.s32 @p2 $0x1  }
0x17: {  	s4 =	simm.s32 $0x1BF5;
	[smem:$0x3FB2] =	sst s0  }
0x18: {  	s0 =	sld [smem:$0x3F95];
	_ =	swait.ge [sflag:s4], $0x0  }
0x19: {  	s7 =	sld [smem:$0x3F96]  }
0x1a: {  	s8 =	sadd.s32 $0xFFFFE003, lr  }
0x1b: {  	s9 =	sadd.s32 $0xFFFFFEF7, lr;
	s5 =	simm.s32 $0xFFFFFFFF;
	p2 =	slt.u32 s8, $0xFFFFF086  }
0x1c: {  	p1 =	slt.u32 s9, $0xF7A;
	s5 =	simm.s32 @!p2 $0x0  }
0x1d: {  	s5 =	simm.s32 @p1 $0x1;
	p0 =	seq.s32 s7, s2  }
0x1e: {  	s7 =	smul.u32 @!p0 $0xF7A, s2;
	p2 =	seq.s32 @!p0 s5, $0x0  }
0x1f: {  	s9 =	smul.u32 $0xF7A, s1;
	s8 =	simm.s32 @!p0 $0x1BF5;
	p2 =	por !p2, p0  }
0x20: {  	[sflag:s8] =	ssyncset.s32 @!p0 $0xFFFFF086;
	s6 =	sadd.s32 @!p0 s3, s7;
	s7 =	simm.s32 @!p0 $0x108  }
0x21: {  	s3 =	sadd.s32 s3, s9;
	s6 =	sadd.s32 @!p0 $0x88, s6;
	s7 =	simm.s32 @p2 $0x1082  }
0x22: {  	[simem:s7], [sflag:s8] =	dma.local @!p0 [hbm:s6], $0xF7A  }
0x23: {  	s9 =	sor.u32 $0xD0000000, s2;
	s6 =	simm.s32 $0x108;
	_ =	swait.ge @!p0 [sflag:s8], $0x0  }
0x24: {  	s3 =	sadd.s32 $0x88, s3;
	s6 =	simm.s32 @!p1 $0x1082;
	[sflag:s4] =	ssyncset.s32 $0xFFFFF086  }
0x25: {  	[simem:s6], [sflag:s4] =	dma.local [hbm:s3], $0xF7A  }
0x26: {  	[smem:$0x3F96] =	sst s1;
	(tag) =	ssettag s2;
	_ =	strace s9  }
0x27: {  	s1 =	sld [smem:$0x3FA6]  }
0x28: {  	s2 =	sld [smem:$0x3FA7]  }
0x29: {  	s4 =	sld [smem:$0x3FA9]  }
0x2a: {  	p0 =	seq.s32 s5, $0x0;
	s5 =	sld [smem:$0x3FAA]  }
0x2b: {  	s6 =	sld [smem:$0x3FAB]  }
0x2c: {  	s7 =	sld [smem:$0x3FAC]  }
0x2d: {  	s3 =	simm.s32 $0x108;
	s8 =	sld [smem:$0x3FAD]  }
0x2e: {  	s3 =	simm.s32 @!p0 $0x1082;
	s9 =	sld [smem:$0x3FAE]  }
0x2f: {  	lr =	sadd.s32 s0, s3;
	s0 =	sld [smem:$0x3FA5]  }
0x30: {  	s3 =	sld [smem:$0x3FA8]  }
0x31: {  	[smem:$0x3FB1] =	sst s10  }
0x32: {  	s10 =	sld [smem:$0x3FAF];
	_ =	sdelay $0x3  }
0x33: {  	p0 =	seq.s32 s10, $0x1;
	s10 =	sld [smem:$0x3FB1];
	_ =	sdelay $0x3  }
0x34: {  	[smem:$0x3FB1] =	sst s10  }
0x35: {  	s10 =	sld [smem:$0x3FB0];
	_ =	sdelay $0x3  }
0x36: {  	p1 =	seq.s32 s10, $0x1;
	s10 =	sld [smem:$0x3FB1];
	_ =	sdelay $0x3  }
0x37: {  	[smem:$0x3FB1] =	sst s10  }
0x38: {  	s10 =	sld [smem:$0x3FB2]  }
0x39: {  	_ = 	snop;
	(pc) =	sbr.ind lr, $3  }
0x3a: {  	_ = 	snop  }
0x3b: {  	_ = 	snop  }
0x3c: {  	p2 =	seq.s32 s10, $0x1;
	s10 =	sld [smem:$0x3FB1]  }
0x3d: {  	_ =	shalt  }
0x3e: {  	_ =	shalt  }
0x3f: {  	_ =	shalt  }
0x40: {  	_ =	shalt  }
0x41: {  	_ =	shalt  }
0x42: {  	_ =	shalt  }
0x43: {  	_ =	shalt  }
0x44: {  	_ =	shalt  }
0x45: {  	_ =	shalt  }
0x46: {  	_ =	shalt  }
0x47: {  	_ =	shalt  }
0x48: {  	_ =	shalt  }
0x49: {  	_ =	shalt  }
0x4a: {  	_ =	shalt  }
0x4b: {  	_ =	shalt  }
0x4c: {  	_ =	shalt  }
0x4d: {  	_ =	shalt  }
0x4e: {  	_ =	shalt  }
0x4f: {  	_ =	shalt  }
0x50: {  	_ =	shalt  }
0x51: {  	_ =	shalt  }
0x52: {  	_ =	shalt  }
0x53: {  	_ =	shalt  }
0x54: {  	_ =	shalt  }
0x55: {  	_ =	shalt  }
0x56: {  	_ =	shalt  }
0x57: {  	_ =	shalt  }
0x58: {  	_ =	shalt  }
0x59: {  	_ =	shalt  }
0x5a: {  	_ =	shalt  }
0x5b: {  	_ =	shalt  }
0x5c: {  	_ =	shalt  }
0x5d: {  	_ =	shalt  }
0x5e: {  	_ =	shalt  }
0x5f: {  	_ =	shalt  }
0x60: {  	_ =	shalt  }
0x61: {  	_ =	shalt  }
0x62: {  	_ =	shalt  }
0x63: {  	_ =	shalt  }
0x64: {  	_ =	shalt  }
0x65: {  	_ =	shalt  }
0x66: {  	_ =	shalt  }
0x67: {  	_ =	shalt  }
0x68: {  	_ =	shalt  }
0x69: {  	_ =	shalt  }
0x6a: {  	_ =	shalt  }
0x6b: {  	_ =	shalt  }
0x6c: {  	_ =	shalt  }
0x6d: {  	_ =	shalt  }
0x6e: {  	_ =	shalt  }
0x6f: {  	_ =	shalt  }
0x70: {  	_ =	shalt  }
0x71: {  	_ =	shalt  }
0x72: {  	_ =	shalt  }
0x73: {  	_ =	shalt  }
0x74: {  	_ =	shalt  }
0x75: {  	_ =	shalt  }
0x76: {  	_ =	shalt  }
0x77: {  	_ =	shalt  }
0x78: {  	_ =	shalt  }
0x79: {  	_ =	shalt  }
0x7a: {  	_ =	shalt  }
0x7b: {  	_ =	shalt  }
0x7c: {  	_ =	shalt  }
0x7d: {  	_ =	shalt  }
0x7e: {  	_ =	shalt  }
0x7f: {  	_ =	shalt  }
0x80: {  	_ =	shalt  }
0x81: {  	_ =	shalt  }
0x82: {  	_ =	shalt  }
0x83: {  	_ =	shalt  }
0x84: {  	_ =	shalt  }
0x85: {  	_ =	shalt  }
0x86: {  	_ =	shalt  }
0x87: {  	_ =	shalt  }
.Lfunc_end0:
.L_simem_size_0:
called_computation_lowered:
.L_overlay_start_0:
0x88: {  	s2 =	sld [smem:$0x3FD9]  }
0x89: {  	s3 =	sld [smem:$0x3FFE];
	_ =	sdelay $0x1  }
0x8a: {  	s1 =	srdreg.scid  }
0x8b: {  	s0 =	sand.u32 $0x1, s1  }
0x8c: {  	s17 =	sshll.u32 s0, $0xA;
	s2 =	sadd.s32 s3, s2  }
0x8d: {  	s2 =	sadd.s32 s2, s17  }
0x8e: {  	[smem:$0x3FBD] =	sst s2  }
0x8f: {  	_ = 	snop  }
0x90: {  	s2 =	sld [smem:$0x3FC8];
	(tm) =	ssettm $0x1  }
0x91: {  	s18 =	sld [smem:$0x3FFB];
	_ =	sdelay $0x3  }
0x92: {  	_ =	strace s18  }
0x93: {  	s3 =	sld [smem:$0x3FFC];
	_ =	sdelay $0x3  }
0x94: {  	_ =	strace s3  }
0x95: {  	s3 =	sld [smem:$0x3FFD];
	_ =	sdelay $0x3  }
0x96: {  	_ =	strace s3  }
0x97: {  	_ =	strace $0x8FFFFFFF  }
0x98: {  	s19 =	sld [smem:$0x3FDB];
	_ =	sdelay $0x1  }
0x99: {  	s4 =	simm.s32 $_scs_section_size  }
0x9a: {  	s5 =	simm.s32 $_size__tile_overlayer_lowered;
	s6 =	simm.s32 $_tile_overlayer_lowered  }
0x9b: {  	s22 =	simm.s32 $0x1BFF;
	s21 =	sshll.u32 s6, $0x1;
	s3 =	sadd.s32 s4, s19  }
0x9c: {  	s7 =	simm.s32 $0x0;
	s20 =	sshll.u32 s5, $0x1;
	s5 =	sadd.s32 s21, s3  }
0x9d: {  	[timem:s7], [sflag:s22] =	dma.local [hbm:s5], s20  }
0x9e: {  	_ =	swait.ge [sflag:s22], s20  }
0x9f: {  	s4 =	ssub.s32 $0x0, s20;
	[sflag:s22] =	ssyncset.done $0x0  }
0xa0: {  	[sflag:s22] =	ssyncadd.s32 s4;
	_ =	sdelay $0x1  }
0xa1: {  	s23 =	simm.s32 $0x1B8B  }
0xa2: {  	_ =	swait.ge [sflag:s23], $0x1  }
0xa3: {  	[sflag:s23] =	ssyncset.done $0x0  }
0xa4: {  	s25 =	simm.s32 $0x1B8E;
	s24 =	sld [smem:$0x3FFE];
	[sflag:s23] =	ssyncadd.s32 $0xFFFFFFFF  }
0xa5: {  	s26 =	simm.s32 $execute0_lowered;
	[smem:$0x3FD2] =	sst s25  }
0xa6: {  	s5 =	sshll.u32 s26, $0x1;
	_ =	strace $0x80000046;
	[dreg:$0x1] =	wrdreg $0xFFFFFFFF  }
0xa7: {  	s28 =	simm.s32 $_size_execute0_lowered;
	s3 =	sadd.s32 s3, s5;
	[dreg:$0x0] =	wrdreg $0x0  }
0xa8: {  	s5 =	sshll.u32 s28, $0x1;
	[dreg:$0x2] =	wrdreg s3  }
0xa9: {  	[dreg:$0x3] =	wrdreg s5  }
0xaa: {  	[dreg:$0x4] =	wrdreg $0xC0  }
0xab: {  	_ =	task [dreg:s7], $0x5FFFF  }
0xac: {  	[dreg:$0x1] =	wrdreg $0xFFFFFFFF  }
0xad: {  	[dreg:$0x0] =	wrdreg $0x60  }
0xae: {  	[dreg:$0x2] =	wrdreg s2  }
0xaf: {  	[dreg:$0x3] =	wrdreg s24  }
0xb0: {  	[dreg:$0x4] =	wrdreg $0x9  }
0xb1: {  	_ =	task.clear_ibuf [dreg:s7], $0x5FFFF;
	_ =	strace $0x90000046  }
0xb2: {  	s29 =	simm.s32 $0x9;
	_ =	strace $0x80000048  }
0xb3: {  	_ =	swait.ge [sflag:s29], $0x1  }
0xb4: {  	[sflag:s29] =	ssyncadd.s32 $0xFFFFFFFF  }
0xb5: {  	_ =	strace $0x90000048  }
0xb6: {  	_ =	sfence  }
0xb7: {  	s30 =	sld [smem:$0x0];
	_ =	sdelay $0x2  }
0xb8: {  	s31 =	sshll.u32 s1, $0xD;
	s1 =	sshrl.u32 s1, $0x2  }
0xb9: {  	s3 =	sand.u32 $0x4000, s31;
	s1 =	sadd.s32 s1, s30  }
0xba: {  	s0 =	sor.u32 s3, s0;
	s1 =	sshll.u32 s1, $0x11  }
0xbb: {  	s0 =	sor.u32 s1, s0  }
0xbc: {  	s0 =	sadd.s32 $0x8F2B, s0  }
0xbd: {  	[sflag:s0] =	ssyncadd.remote.s32 $0x1  }
0xbe: {  	_ =	sfence.sel $0xFFFF  }
0xbf: {  	[dreg:$0x0] =	wrdreg $0xFFFFFFFF;
	(pc) =	sbr.abs _section_cstart, $3  }
0xc0: {  	[dreg:$0x1] =	wrdreg $0xFFFFFFFF  }
0xc1: {  	_ =	task.clear_ibuf [dreg:s7], $0x2FFFF;
	_ =	strace $0x9FFFFFFF  }
0xc2: {  	(tm) =	ssettm $0x7FFFFFFF  }
0xc3: {  	_ =	shalt  }
tec
execute0_lowered:
.L_overlay_start_1:
0x0: {  	(tag) =	ssettag $0x1  }
0x1: {  	s0 =	srdreg.scid  }
0x2: {  	s3 =	sand.u32 $0x1, s0;
	s0 =	stileid.u32  }
0x3: {  	s4 =	sshll.u32 s0, $0x1;
	s6 =	ssub.s32 $0x0, s3  }
0x4: {  	p0 =	sne.s32 s4, s6  }
.Ltmp0:
0x5: {  	_ = 	snop;
	(pc) =	sbr.rel @p0 .LBB2_9-.Ltmp0, $4  }
0x6: {  	_ = 	snop  }
0x7: {  	s2 =	rddreg [dreg:$0x0]  }
0x8: {  	s5 =	rddreg [dreg:$0x1]  }
0x9: {  	s1 =	rddreg [dreg:$0x2];
	_ =	strace $0x80000047  }
0xa: {  	s4 =	ssub.s32 $0x2, s3  }
0xb: {  	s3 =	sadd.s32 $0x2C00, s5;
	s7 =	simm.s32 $0x0;
	s8 =	simm.s32 $0x1  }
0xc: {  	s9 =	simm.s32 $0x9000;
	s10 =	simm.s32 $0x9800;
	s6 =	sshrl.u32 s4, $0x1  }
0xd: {  	v0 =	vimm.s32 $0x0;
	s11 =	simm.s32 $0xA000;
	s12 =	simm.s32 $0x0;
	s6 =	ssub.s32 s4, s6  }
0xe: {  	v1 =	vlaneseq.u32;
	vm0 =	vcmask $0x300;
	vm1 =	vcmask $0x704;
	s4 =	sadd.s32 $0x3000, s5;
	s5 =	sadd.s32 $0x2E00, s5;
	s6 =	smax.u32 s6, $0x1  }
.LBB2_2:
0xf: {  	[tilespmem:s7], [sflag:$0x1] =	stream.linear.gather [hbm4b:s2+s7], $0x8000, $0x38;
	[tilespmem:$0xA080] =	vst v63  }
0x10: {  	_ =	swait.ge [sflag:s8], $0x8000  }
0x11: {  	s13 =	sand.u32 $0x70, s7;
	s14 =	sand.u32 $0x3C00, s7;
	[sflag:s8] =	ssyncset.done $0x0  }
0x12: {  	s13 =	sor.u32 s13, s14;
	[sflag:s8] =	ssyncadd.s32 $0xFFFF8000  }
0x13: {  	v2 =	vld [tilespmem:s13+$0x80]  }
0x14: {  	v3 =	vld [tilespmem:s13+$0x0];
	_ =	sdelay $0x1  }
0x15: {  	v4 =	vld [tilespmem:s13+$0x100];
	_ =	sdelay $0x1  }
0x16: {  	v5 =	vld [tilespmem:s13+$0x180]  }
0x17: {  	v2 =	vadd.f32 v2, v3  }
0x18: {  	v3 =	vld [tilespmem:s13+$0x200]  }
0x19: {  	v2 =	vadd.f32 v4, v2  }
0x1a: {  	v56 =	vld [tilespmem:s13+$0x280]  }
0x1b: {  	v2 =	vadd.f32 v5, v2  }
0x1c: {  	v57 =	vld [tilespmem:s13+$0x300]  }
0x1d: {  	v2 =	vadd.f32 v3, v2  }
0x1e: {  	v3 =	vld [tilespmem:s13+$0x380]  }
0x1f: {  	v2 =	vadd.f32 v56, v2  }
0x20: {  	v58 =	vld [tilespmem:s13+$0x4000]  }
0x21: {  	v2 =	vadd.f32 v57, v2  }
0x22: {  	v59 =	vld [tilespmem:s13+$0x4080]  }
0x23: {  	v2 =	vadd.f32 v3, v2  }
0x24: {  	v3 =	vld [tilespmem:s13+$0x4100]  }
0x25: {  	v2 =	vadd.f32 v58, v2  }
0x26: {  	v60 =	vld [tilespmem:s13+$0x4180]  }
0x27: {  	v2 =	vadd.f32 v59, v2  }
0x28: {  	v61 =	vld [tilespmem:s13+$0x4200]  }
0x29: {  	v2 =	vadd.f32 v3, v2  }
0x2a: {  	v3 =	vld [tilespmem:s13+$0x4280]  }
0x2b: {  	v2 =	vadd.f32 v60, v2  }
0x2c: {  	v62 =	vld [tilespmem:s13+$0x4300]  }
0x2d: {  	v2 =	vadd.f32 v61, v2  }
0x2e: {  	v63 =	vld [tilespmem:s13+$0x4380]  }
0x2f: {  	v2 =	vadd.f32 v3, v2;
	_ =	sdelay $0x1  }
0x30: {  	v2 =	vadd.f32 v62, v2;
	_ =	sdelay $0x1  }
0x31: {  	s31 =	simm.s32 $0x10;
	s15 =	simm.s32 $0x80;
	v2 =	vadd.f32 v63, v2  }
0x32: {  	s14 =	sand.u32 $0x70, s31;
	s16 =	sand.u32 $0x3C00, s15;
	s13 =	simm.s32 $0x8000;
	v3 =	vimm.f32 $-Inf  }
0x33: {  	s14 =	sor.u32 s14, s16;
	s16 =	simm.s32 $0x20;
	[tilespmem:s13+$0x0] =	vst v2;
	v2 =	vmax.f32 v3, v2  }
.LBB2_3:
0x34: {  	p0 =	sne.s32 s16, $0x7F0;
	v3 =	vld [tilespmem:s14+$0x80]  }
0x35: {  	v4 =	vld [tilespmem:s14+$0x0];
	_ =	sdelay $0x1  }
0x36: {  	v5 =	vld [tilespmem:s14+$0x100];
	_ =	sdelay $0x1  }
0x37: {  	v6 =	vld [tilespmem:s14+$0x180]  }
0x38: {  	v3 =	vadd.f32 v3, v4  }
0x39: {  	v4 =	vld [tilespmem:s14+$0x200]  }
0x3a: {  	v3 =	vadd.f32 v5, v3  }
0x3b: {  	v5 =	vld [tilespmem:s14+$0x280]  }
0x3c: {  	v3 =	vadd.f32 v6, v3  }
0x3d: {  	v6 =	vld [tilespmem:s14+$0x300]  }
0x3e: {  	v3 =	vadd.f32 v4, v3  }
0x3f: {  	v4 =	vld [tilespmem:s14+$0x380]  }
0x40: {  	v3 =	vadd.f32 v5, v3  }
0x41: {  	v5 =	vld [tilespmem:s14+$0x4000]  }
0x42: {  	v3 =	vadd.f32 v6, v3  }
0x43: {  	v6 =	vld [tilespmem:s14+$0x4080]  }
0x44: {  	v3 =	vadd.f32 v4, v3  }
0x45: {  	v4 =	vld [tilespmem:s14+$0x4100]  }
0x46: {  	v3 =	vadd.f32 v5, v3  }
0x47: {  	v5 =	vld [tilespmem:s14+$0x4180]  }
0x48: {  	v3 =	vadd.f32 v6, v3  }
0x49: {  	v6 =	vld [tilespmem:s14+$0x4200]  }
0x4a: {  	v3 =	vadd.f32 v4, v3  }
0x4b: {  	v4 =	vld [tilespmem:s14+$0x4280]  }
0x4c: {  	v3 =	vadd.f32 v5, v3  }
0x4d: {  	v5 =	vld [tilespmem:s14+$0x4300]  }
0x4e: {  	v3 =	vadd.f32 v6, v3  }
0x4f: {  	v6 =	vld [tilespmem:s14+$0x4380]  }
0x50: {  	v3 =	vadd.f32 v4, v3;
	_ =	sdelay $0x1  }
.Ltmp1:
0x51: {  	v3 =	vadd.f32 v5, v3;
	(pc) =	sbr.rel @p0 .LBB2_3-.Ltmp1, $4  }
0x52: {  	_ = 	snop  }
0x53: {  	s15 =	sadd.s32 $0x80, s15;
	v3 =	vadd.f32 v6, v3  }
0x54: {  	s13 =	sadd.s32 $0x10, s13;
	s17 =	sand.u32 $0x3C00, s15;
	s14 =	sand.u32 $0x70, s16  }
0x55: {  	s16 =	sadd.s32 $0x10, s16;
	s14 =	sor.u32 s14, s17;
	[tilespmem:s13+$0x0] =	vst v3;
	v2 =	vmax.f32 v2, v3  }
0x56: {  	v3 =	vld [tilespmem:s14+$0x80]  }
0x57: {  	v4 =	vld [tilespmem:s14+$0x0];
	_ =	sdelay $0x1  }
0x58: {  	v5 =	vld [tilespmem:s14+$0x100];
	_ =	sdelay $0x1  }
0x59: {  	v6 =	vld [tilespmem:s14+$0x180]  }
0x5a: {  	v3 =	vadd.f32 v3, v4  }
0x5b: {  	v4 =	vld [tilespmem:s14+$0x200]  }
0x5c: {  	v3 =	vadd.f32 v5, v3  }
0x5d: {  	v5 =	vld [tilespmem:s14+$0x280]  }
0x5e: {  	v3 =	vadd.f32 v6, v3  }
0x5f: {  	v6 =	vld [tilespmem:s14+$0x300]  }
0x60: {  	v3 =	vadd.f32 v4, v3  }
0x61: {  	v4 =	vld [tilespmem:s14+$0x380]  }
0x62: {  	v3 =	vadd.f32 v5, v3  }
0x63: {  	v5 =	vld [tilespmem:s14+$0x4000]  }
0x64: {  	v3 =	vadd.f32 v6, v3  }
0x65: {  	v6 =	vld [tilespmem:s14+$0x4080]  }
0x66: {  	v3 =	vadd.f32 v4, v3  }
0x67: {  	v4 =	vld [tilespmem:s14+$0x4100]  }
0x68: {  	v3 =	vadd.f32 v5, v3  }
0x69: {  	v5 =	vld [tilespmem:s14+$0x4180]  }
0x6a: {  	v3 =	vadd.f32 v6, v3  }
0x6b: {  	v6 =	vld [tilespmem:s14+$0x4200]  }
0x6c: {  	v3 =	vadd.f32 v4, v3  }
0x6d: {  	v4 =	vld [tilespmem:s14+$0x4280]  }
0x6e: {  	v3 =	vadd.f32 v5, v3  }
0x6f: {  	v5 =	vld [tilespmem:s14+$0x4300]  }
0x70: {  	v3 =	vadd.f32 v6, v3  }
0x71: {  	v6 =	vld [tilespmem:s14+$0x4380]  }
0x72: {  	v3 =	vadd.f32 v4, v3;
	_ =	sdelay $0x1  }
0x73: {  	v3 =	vadd.f32 v5, v3;
	_ =	sdelay $0x1  }
0x74: {  	v3 =	vadd.f32 v6, v3;
	_ =	sdelay $0x1  }
0x75: {  	v2 =	vmax.f32 v2, v3  }
0x76: {  	(xrf0) =	vmax.scan.msk.f32 $0xffff, v2;
	_ =	sdelay $0x5  }
0x77: {  	v2, _, _ =	vpop (xrf0)  }
0x78: {  	(v2sf) =	vpush v2, $0xF;
	_ =	sdelay $0xe  }
0x79: {  	s29 =	spop (v2sf)  }
0x7a: {  	s14 =	sadd.f32 $9.999999930e-09, s29;
	_ =	sdelay $0x1  }
0x7b: {  	v2 =	vmov s14  }
0x7c: {  	(erf) = vrcp.f32 v2;
	_ =	sdelay $0x2  }
0x7d: {  	s13 =	sadd.s32 $0x10, s13  }
0x7e: {  	s30 =	simm.s32 $0x0;
	[tilespmem:s13+$0x0] =	vst v3  }
0x7f: {  	v3 =	vld [tilespmem:s30+$0x8000];
	_ =	sdelay $0x3  }
0x80: {  	v2 =	vpop (erf)  }
0x81: {  	v3 =	vmul.f32 v3, v2;
	_ =	sdelay $0x1  }
0x82: {  	s31 =	simm.s32 $0x10;
	vm2 =	vge.f32 v3, $6.999999880e-01  }
0x83: {  	vm3 =	vge.f32 v3, $3.000000120e-01;
	v3 =	vld [tilespmem:s31+$0x8000];
	vm2 =	vmneg vm2  }
0x84: {  	vm4 =	vmand vm2, vm3  }
0x85: {  	v4 =	vsel vm4, $0x1, v0  }
0x86: {  	v5 =	vsel vm3, $0x1, v0;
	(xrf0) =	vadd.scan.msk.s32 $0xffff, v4  }
0x87: {  	v4 =	vnsel vm2, $0x2, v5  }
0x88: {  	s15 =	simm.s32 $0x20;
	[tilespmem:s30+$0x8800] =	vst v4;
	v3 =	vmul.f32 v3, v2  }
0x89: {  	v5 =	vld [tilespmem:s15+$0x8000];
	_ =	sdelay $0x2  }
0x8a: {  	vm2 =	vge.f32 v3, $6.999999880e-01;
	vm3 =	vge.f32 v3, $3.000000120e-01;
	v3, _, _ =	vpop (xrf0)  }
0x8b: {  	vm14 =	veq.s32 v4, $0x0;
	vm2 =	vmneg vm2;
	(v2sf) =	vpush v3, $0xF  }
0x8c: {  	v3 =	vsel vm3, $0x1, v0;
	v4 =	vmul.f32 v5, v2;
	v5 =	vsel vm14, $0x1, v0  }
0x8d: {  	v3 =	vnsel vm2, $0x2, v3;
	vm2 =	vmand vm2, vm3;
	(xrf0) =	vadd.scan.msk.s32 $0xffff, v5  }
0x8e: {  	s16 =	simm.s32 $0x30;
	[tilespmem:s31+$0x8800] =	vst v3;
	v5 =	vsel vm2, $0x1, v0;
	vm2 =	vge.f32 v4, $6.999999880e-01;
	vm3 =	vge.f32 v4, $3.000000120e-01  }
0x8f: {  	vm15 =	veq.s32 v3, $0x0;
	v6 =	vld [tilespmem:s16+$0x8000];
	vm2 =	vmneg vm2;
	v3 =	vsel vm3, $0x1, v0  }
0x90: {  	v3 =	vnsel vm2, $0x2, v3  }
0x91: {  	s13 =	simm.s32 $0x40;
	(xrf0) =	vadd.scan.msk.s32 $0xffff, v5;
	v4 =	vsel vm15, $0x1, v0;
	vm2 =	vmand vm2, vm3;
	[tilespmem:s15+$0x8800] =	vst v3  }
0x92: {  	(xrf0) =	vadd.scan.msk.s32 $0xffff, v4;
	vm3 =	veq.s32 v3, $0x0;
	v3 =	vsel vm2, $0x1, v0;
	v4 =	vld [tilespmem:s13+$0x8000];
	_ =	sdelay $0x1  }
0x93: {  	(xrf0) =	vadd.scan.msk.s32 $0xffff, v3;
	v5 =	vmul.f32 v6, v2;
	v6 =	vsel vm3, $0x1, v0  }
0x94: {  	v3, _, _ =	vpop (xrf0);
	(xrf0) =	vadd.scan.msk.s32 $0xffff, v6  }
0x95: {  	(v2sf) =	vpush v3, $0xF  }
0x96: {  	vm2 =	vge.f32 v5, $6.999999880e-01;
	vm3 =	vge.f32 v5, $3.000000120e-01;
	v6, _, _ =	vpop (xrf0);
	v4 =	vmul.f32 v4, v2  }
0x97: {  	vm2 =	vmneg vm2;
	v3 =	vsel vm3, $0x1, v0;
	(v2sf) =	vpush v6, $0xF;
	v5, _, _ =	vpop (xrf0)  }
0x98: {  	v3 =	vnsel vm2, $0x2, v3;
	vm2 =	vmand vm2, vm3;
	(v2sf) =	vpush v5, $0xF  }
0x99: {  	vm3 =	veq.s32 v3, $0x0;
	v5 =	vsel vm2, $0x1, v0;
	v6, _, _ =	vpop (xrf0);
	vm2 =	vge.f32 v4, $6.999999880e-01  }
0x9a: {  	[tilespmem:s16+$0x8800] =	vst v3;
	v3 =	vsel vm3, $0x1, v0;
	vm3 =	vge.f32 v4, $3.000000120e-01;
	(v2sf) =	vpush v6, $0xF;
	v4, _, _ =	vpop (xrf0)  }
0x9b: {  	(v2sf) =	vpush v4, $0xF;
	_ =	sdelay $0x4  }
0x9c: {  	s15 =	simm.s32 $0x50;
	(xrf0) =	vadd.scan.msk.s32 $0xffff, v5  }
0x9d: {  	(xrf0) =	vadd.scan.msk.s32 $0xffff, v3;
	v4 =	vld [tilespmem:s15+$0x8000]  }
0x9e: {  	s18 =	simm.s32 $0x180;
	vm2 =	vmneg vm2;
	v5 =	vsel vm3, $0x1, v0  }
0x9f: {  	s14 =	simm.s32 $0x0;
	s16 =	simm.s32 $0x0;
	s17 =	spop (v2sf);
	v3 =	vnsel vm2, $0x2, v5;
	vm2 =	vmand vm2, vm3  }
.LBB2_5:
0xa0: {  	s19 =	sshra.s32 s18, $0x2  }
0xa1: {  	[tilespmem:s13+$0x8800] =	vst v3;
	vm3 =	veq.s32 v3, $0x0;
	v7 =	vsel vm2, $0x1, v0;
	s14 =	sadd.s32 s14, s17;
	s13 =	spop (v2sf);
	p0 =	sne.s32 s18, $0x1FC0  }
.Ltmp2:
0xa2: {  	s18 =	sadd.s32 $0x40, s18;
	v5 =	vmul.f32 v4, v2;
	v8 =	vsel vm3, $0x1, v0;
	(xrf0) =	vadd.scan.msk.s32 $0xffff, v7;
	v3, _, _ =	vpop (xrf0);
	s16 =	sadd.s32 s16, s13;
	(pc) =	sbr.rel @p0 .LBB2_5-.Ltmp2, $4  }
0xa3: {  	s13 =	smov.u32 s15;
	s15 =	smov.u32 s19;
	v4 =	vld [tilespmem:s19+$0x8000];
	(xrf0) =	vadd.scan.msk.s32 $0xffff, v8;
	v6, _, _ =	vpop (xrf0);
	(v2sf) =	vpush v3, $0xF  }
0xa4: {  	vm2 =	vge.f32 v5, $6.999999880e-01;
	vm3 =	vge.f32 v5, $3.000000120e-01;
	(v2sf) =	vpush v6, $0xF  }
0xa5: {  	vm2 =	vmneg vm2;
	v3 =	vsel vm3, $0x1, v0  }
0xa6: {  	v3 =	vnsel vm2, $0x2, v3;
	vm2 =	vmand vm2, vm3;
	s17 =	spop (v2sf)  }
0xa7: {  	_ = 	snop  }
0xa8: {  	v2 =	vmul.f32 v4, v2;
	_ =	sdelay $0x1  }
0xa9: {  	v4 =	vsel vm2, $0x1, v0;
	vm2 =	vge.f32 v2, $6.999999880e-01;
	vm3 =	vge.f32 v2, $3.000000120e-01  }
0xaa: {  	vm4 =	veq.s32 v3, $0x0;
	vm2 =	vmneg vm2;
	v2 =	vsel vm3, $0x1, v0  }
0xab: {  	v5 =	vsel vm4, $0x1, v0;
	(xrf0) =	vadd.scan.msk.s32 $0xffff, v4;
	v2 =	vnsel vm2, $0x2, v2;
	vm2 =	vmand vm2, vm3  }
0xac: {  	(xrf0) =	vadd.scan.msk.s32 $0xffff, v5;
	vm3 =	veq.s32 v2, $0x0;
	v4 =	vsel vm2, $0x1, v0  }
0xad: {  	v5 =	vsel vm3, $0x1, v0;
	(xrf0) =	vadd.scan.msk.s32 $0xffff, v4  }
0xae: {  	(xrf0) =	vadd.scan.msk.s32 $0xffff, v5  }
0xaf: {  	v4, _, _ =	vpop (xrf0)  }
0xb0: {  	v5, _, _ =	vpop (xrf0);
	(v2sf) =	vpush v4, $0xF  }
0xb1: {  	v4, _, _ =	vpop (xrf0);
	(v2sf) =	vpush v5, $0xF  }
0xb2: {  	v5, _, _ =	vpop (xrf0);
	(v2sf) =	vpush v4, $0xF  }
0xb3: {  	(v2sf) =	vpush v5, $0xF;
	v4, _, _ =	vpop (xrf0)  }
0xb4: {  	v5, _, _ =	vpop (xrf0);
	(v2sf) =	vpush v4, $0xF  }
0xb5: {  	(v2sf) =	vpush v5, $0xF;
	_ =	sdelay $0x3  }
0xb6: {  	[tilespmem:s13+$0x8800] =	vst v3  }
0xb7: {  	s29 =	spop (v2sf);
	s30 =	simm.s32 $0x8800;
	[tilespmem:s15+$0x8800] =	vst v2  }
0xb8: {  	s18 =	spop (v2sf);
	v2 =	vld [tilespmem:s30+$0x0]  }
0xb9: {  	s31 =	spop (v2sf)  }
0xba: {  	s19 =	spop (v2sf)  }
0xbb: {  	s20 =	spop (v2sf)  }
0xbc: {  	s21 =	spop (v2sf)  }
0xbd: {  	s14 =	sadd.s32 s14, s17;
	s13 =	sadd.s32 s16, s29;
	vm2 =	veq.s32 v2, $0x0;
	s17 =	spop (v2sf)  }
0xbe: {  	s14 =	sadd.s32 s14, s18;
	s13 =	sadd.s32 s13, s31;
	vm3 =	veq.s32 v2, $0x1;
	v3 =	vsel vm2, $0x1, v0;
	s22 =	spop (v2sf)  }
0xbf: {  	s14 =	sadd.s32 s14, s19;
	vm14 =	veq.s32 v2, $0x2;
	s13 =	sadd.s32 s13, s20;
	v4 =	vsel vm3, $0x1, v0;
	(xrf0) =	vadd.scan.msk.s32 $0xffff, v3;
	s23 =	spop (v2sf)  }
0xc0: {  	v2 =	vsel vm14, $0x1, v0;
	(xrf0) =	vadd.scan.msk.s32 $0xffff, v4;
	s14 =	sadd.s32 s14, s21;
	s13 =	sadd.s32 s13, s17;
	s24 =	spop (v2sf)  }
0xc1: {  	(xrf0) =	vadd.scan.msk.s32 $0xffff, v2;
	s14 =	sadd.s32 s14, s22;
	s13 =	sadd.s32 s13, s23;
	s25 =	spop (v2sf)  }
0xc2: {  	s28 =	simm.s32 $0x0;
	s14 =	sadd.s32 s14, s24;
	s26 =	sadd.s32 s13, s25  }
0xc3: {  	v3 =	vmov s28;
	s13 =	sadd.s32 s26, s14;
	v2 =	vmov s26  }
0xc4: {  	v3 =	vadd.s32 $0xFFFFFFFF, v3;
	v4 =	vadd.s32 $0xFFFFFFFF, v2;
	v5 =	vmov s13  }
0xc5: {  	v3 =	vbroadcast v3, $0x0;
	v6, _, _ =	vpop (xrf0);
	v4 =	vbroadcast v4, $0x0;
	v5 =	vadd.s32 $0xFFFFFFFF, v5  }
0xc6: {  	v7, _, _ =	vpop (xrf0);
	v5 =	vbroadcast v5, $0x0  }
0xc7: {  	v3 =	vadd.s32 v6, v3;
	v8, _, _ =	vpop (xrf0);
	v4 =	vadd.s32 v7, v4  }
0xc8: {  	v3 =	vnsel vm2, $0x0, v3;
	v4 =	vnsel vm3, $0x0, v4;
	v5 =	vadd.s32 v8, v5  }
0xc9: {  	(v2sf) =	vpush v6, $0xF;
	v3 =	vadd.s32 v4, v3;
	v4 =	vnsel vm14, $0x0, v5  }
0xca: {  	(v2sf) =	vpush v7, $0xF;
	v3 =	vadd.s32 v4, v3  }
0xcb: {  	(v2sf) =	vpush v8, $0xF;
	_ =	sdelay $0x1  }
0xcc: {  	s18 =	simm.s32 $0x9800  }
0xcd: {  	v4 =	vor.u32 s28, v1;
	[tilespmem:s18+$0x0] =	vst v3  }
0xce: {  	s19 =	simm.s32 $0x8810;
	[tilespmem:v3+s9+$0x0] =	vst.idx.msk $0xffff, v4  }
0xcf: {  	v3 =	vld [tilespmem:s19+$0x0];
	_ =	sdelay $0x4  }
0xd0: {  	vm3 =	veq.s32 v3, $0x0  }
0xd1: {  	vm15 =	veq.s32 v3, $0x1;
	v4 =	vsel vm3, $0x1, v0  }
0xd2: {  	vm2 =	veq.s32 v3, $0x2;
	v5 =	vsel vm15, $0x1, v0;
	(xrf0) =	vadd.scan.msk.s32 $0xffff, v4  }
0xd3: {  	s29 =	spop (v2sf);
	v3 =	vsel vm2, $0x1, v0;
	(xrf0) =	vadd.scan.msk.s32 $0xffff, v5  }
0xd4: {  	s30 =	spop (v2sf);
	(xrf0) =	vadd.scan.msk.s32 $0xffff, v3  }
0xd5: {  	s15 =	sadd.s32 $0x0, s29;
	s14 =	sadd.s32 s26, s30;
	s31 =	spop (v2sf)  }
0xd6: {  	s16 =	sadd.s32 s13, s31;
	v4 =	vmov s14;
	v3 =	vmov s15  }
0xd7: {  	v4 =	vadd.s32 $0xFFFFFFFF, v4;
	v5 =	vmov s16;
	v3 =	vadd.s32 $0xFFFFFFFF, v3  }
0xd8: {  	v4 =	vbroadcast v4, $0x0;
	v5 =	vadd.s32 $0xFFFFFFFF, v5;
	v3 =	vbroadcast v3, $0x0;
	v6, _, _ =	vpop (xrf0)  }
0xd9: {  	v5 =	vbroadcast v5, $0x0;
	v7, _, _ =	vpop (xrf0);
	(v2sf) =	vpush v6, $0xF  }
0xda: {  	v3 =	vadd.s32 v6, v3;
	v4 =	vadd.s32 v7, v4;
	v6, _, _ =	vpop (xrf0);
	(v2sf) =	vpush v7, $0xF  }
0xdb: {  	v3 =	vnsel vm3, $0x0, v3;
	v4 =	vnsel vm15, $0x0, v4;
	v5 =	vadd.s32 v6, v5  }
0xdc: {  	s20 =	simm.s32 $0x10;
	s21 =	simm.s32 $0x30;
	s17 =	simm.s32 $0x20;
	(v2sf) =	vpush v6, $0xF;
	v3 =	vadd.s32 v4, v3;
	v4 =	vnsel vm2, $0x0, v5  }
.LBB2_7:
0xdd: {  	p0 =	sne.s32 s21, $0x7F0;
	v3 =	vadd.s32 v4, v3;
	_ =	sdelay $0x2  }
0xde: {  	s18 =	sadd.s32 $0x10, s18  }
0xdf: {  	v4 =	vor.u32 s20, v1;
	s20 =	smov.u32 s17;
	s17 =	smov.u32 s21;
	[tilespmem:s18+$0x0] =	vst v3  }
0xe0: {  	s19 =	sadd.s32 $0x10, s19;
	[tilespmem:v3+s9+$0x0] =	vst.idx.msk $0xffff, v4  }
0xe1: {  	v3 =	vld [tilespmem:s19+$0x0];
	_ =	sdelay $0x4  }
0xe2: {  	vm2 =	veq.s32 v3, $0x0;
	s22 =	spop (v2sf)  }
0xe3: {  	vm3 =	veq.s32 v3, $0x1;
	v4 =	vsel vm2, $0x1, v0;
	s15 =	sadd.s32 s15, s22;
	s22 =	spop (v2sf)  }
0xe4: {  	vm4 =	veq.s32 v3, $0x2;
	v5 =	vsel vm3, $0x1, v0;
	(xrf0) =	vadd.scan.msk.s32 $0xffff, v4;
	s14 =	sadd.s32 s14, s22  }
0xe5: {  	v3 =	vsel vm4, $0x1, v0;
	(xrf0) =	vadd.scan.msk.s32 $0xffff, v5;
	s22 =	spop (v2sf)  }
0xe6: {  	(xrf0) =	vadd.scan.msk.s32 $0xffff, v3;
	s16 =	sadd.s32 s16, s22;
	_ =	sdelay $0x1  }
0xe7: {  	v4 =	vmov s14;
	v3 =	vmov s15  }
0xe8: {  	v4 =	vadd.s32 $0xFFFFFFFF, v4;
	v3 =	vadd.s32 $0xFFFFFFFF, v3;
	v5 =	vmov s16  }
.Ltmp3:
0xe9: {  	v4 =	vbroadcast v4, $0x0;
	v3 =	vbroadcast v3, $0x0;
	v5 =	vadd.s32 $0xFFFFFFFF, v5;
	v6, _, _ =	vpop (xrf0);
	(pc) =	sbr.rel @p0 .LBB2_7-.Ltmp3, $4  }
0xea: {  	v5 =	vbroadcast v5, $0x0;
	v7, _, _ =	vpop (xrf0);
	(v2sf) =	vpush v6, $0xF  }
0xeb: {  	v3 =	vadd.s32 v6, v3;
	v4 =	vadd.s32 v7, v4;
	v6, _, _ =	vpop (xrf0);
	(v2sf) =	vpush v7, $0xF  }
0xec: {  	v3 =	vnsel vm2, $0x0, v3;
	v4 =	vnsel vm3, $0x0, v4;
	v5 =	vadd.s32 v6, v5  }
0xed: {  	s21 =	sadd.s32 $0x10, s21;
	v3 =	vadd.s32 v4, v3;
	v4 =	vnsel vm4, $0x0, v5;
	(v2sf) =	vpush v6, $0xF  }
0xee: {  	v3 =	vadd.s32 v4, v3;
	_ =	sdelay $0x2  }
0xef: {  	s18 =	sadd.s32 $0x10, s18  }
0xf0: {  	v58 =	vor.u32 s20, v1;
	[tilespmem:s18+$0x0] =	vst v3  }
0xf1: {  	s19 =	sadd.s32 $0x10, s19;
	[tilespmem:v3+s9+$0x0] =	vst.idx.msk $0xffff, v58  }
0xf2: {  	v3 =	vld [tilespmem:s19+$0x0];
	_ =	sdelay $0x4  }
0xf3: {  	vm2 =	veq.s32 v3, $0x0  }
0xf4: {  	vm3 =	veq.s32 v3, $0x1;
	v59 =	vsel vm2, $0x1, v0  }
0xf5: {  	vm4 =	veq.s32 v3, $0x2;
	v5 =	vsel vm3, $0x1, v0;
	(xrf0) =	vadd.scan.msk.s32 $0xffff, v59  }
0xf6: {  	v3 =	vsel vm4, $0x1, v0;
	(xrf0) =	vadd.scan.msk.s32 $0xffff, v5  }
0xf7: {  	(xrf0) =	vadd.scan.msk.s32 $0xffff, v3  }
0xf8: {  	s24 =	spop (v2sf)  }
0xf9: {  	s25 =	spop (v2sf)  }
0xfa: {  	s15 =	sadd.s32 s15, s24;
	s14 =	sadd.s32 s14, s25  }
0xfb: {  	v6 =	vmov s15;
	s26 =	spop (v2sf);
	v7 =	vmov s14;
	v3, _, _ =	vpop (xrf0)  }
0xfc: {  	v6 =	vadd.s32 $0xFFFFFFFF, v6;
	s16 =	sadd.s32 s16, s26;
	v7 =	vadd.s32 $0xFFFFFFFF, v7;
	v60, _, _ =	vpop (xrf0);
	(v2sf) =	vpush v3, $0xF  }
0xfd: {  	v6 =	vbroadcast v6, $0x0;
	v8 =	vmov s16;
	v61, _, _ =	vpop (xrf0);
	(v2sf) =	vpush v60, $0xF  }
0xfe: {  	v7 =	vbroadcast v7, $0x0;
	v8 =	vadd.s32 $0xFFFFFFFF, v8;
	(v2sf) =	vpush v61, $0xF  }
0xff: {  	v8 =	vbroadcast v8, $0x0  }
0x100: {  	v3 =	vadd.s32 v3, v6;
	v4 =	vadd.s32 v60, v7  }
0x101: {  	v3 =	vnsel vm2, $0x0, v3;
	v4 =	vnsel vm3, $0x0, v4;
	v5 =	vadd.s32 v61, v8  }
0x102: {  	v3 =	vadd.s32 v4, v3;
	v62 =	vnsel vm4, $0x0, v5  }
0x103: {  	v3 =	vadd.s32 v62, v3;
	_ =	sdelay $0x2  }
0x104: {  	s28 =	sadd.s32 $0x10, s18  }
0x105: {  	v63 =	vor.u32 s17, v1;
	v2 =	vnsel vm0, $0x0, v2;
	[tilespmem:s28+$0x0] =	vst v3  }
0x106: {  	v2 =	vsel vm1, s13, v2;
	[tilespmem:v3+s9+$0x0] =	vst.idx.msk $0xffff, v63  }
0x107: {  	[tilespmem:$0xA000] =	vst v2  }
0x108: {  	[hbm4b:s3+s7] =	stream.linear.scatter [tilespmem:s9], [sflag:$0x1], $0x800, $0x38;
	[tilespmem:$0xA080] =	vst v63  }
0x109: {  	s29 =	spop (v2sf)  }
0x10a: {  	s30 =	spop (v2sf)  }
0x10b: {  	s31 =	spop (v2sf)  }
0x10c: {  	_ =	swait.ge [sflag:s8], $0x800  }
0x10d: {  	[sflag:s8] =	ssyncset.done $0x0  }
0x10e: {  	[sflag:s8] =	ssyncadd.s32 $0xFFFFF800  }
0x10f: {  	[hbm4b:s4+s7] =	stream.linear.scatter [tilespmem:s10], [sflag:$0x1], $0x800, $0x38;
	[tilespmem:$0xA080] =	vst v63  }
0x110: {  	s12 =	sadd.s32 $0x1, s12;
	_ =	swait.ge [sflag:s8], $0x800  }
0x111: {  	p0 =	sne.s32 s12, s6;
	[sflag:s8] =	ssyncset.done $0x0  }
.Ltmp4:
0x112: {  	[sflag:s8] =	ssyncadd.s32 $0xFFFFF800;
	(pc) =	sbr.rel @p0 .LBB2_2-.Ltmp4, $4  }
0x113: {  	[hbm4b:s5+s7] =	stream.linear.scatter [tilespmem:s11], [sflag:$0x1], $0x80, $0x38;
	[tilespmem:$0xA080] =	vst v63  }
0x114: {  	_ =	swait.ge [sflag:s8], $0x80  }
0x115: {  	[sflag:s8] =	ssyncset.done $0x0  }
0x116: {  	[sflag:s8] =	ssyncadd.s32 $0xFFFFFF80  }
.LBB2_9:
0x117: {  	_ =	sfence.sel $0x180000  }
0x118: {  	[bflag:$0x0] =	sbarrier.arrive $0xFFFF  }
0x119: {  	p0 =	sne.s32 s0, $0x0;
	_ =	strace $0x90000047  }
0x11a: {  	s0 =	sadd.s32 @!p0 $0x100000, s1;
	[bflag:$0x2] =	sbarrier.arrive $0xFFFF  }
0x11b: {  	[sflag:s0] =	ssyncadd.tile.s32 @!p0 $0x1;
	_ =	shalt  }
.Lfunc_end2:
_tile_overlayer_lowered:
.L_overlay_start_2:
0x11c: {  	(tag) =	ssettag $0x2  }
0x11d: {  	s0 =	rddreg [dreg:$0x0];
	s2 =	stileid.u32  }
0x11e: {  	s1 =	rddreg [dreg:$0x1];
	p0 =	sne.s32 s2, $0x0  }
0x11f: {  	s3 =	rddreg [dreg:$0x2];
	[bflag:$0x3] =	sbarrier.arrive $0xFFFF;
	s2 =	simm.s32 @!p0 $0x1C01  }
0x120: {  	[timem:s3], [sflag:s2] =	dma.local @!p0 [hbm:s0], s1  }
0x121: {  	s0 =	simm.s32 @!p0 $0x1  }
0x122: {  	_ =	swait.ge @!p0 [sflag:s0], s1  }
0x123: {  	s1 =	ssub.s32 @!p0 $0x0, s1;
	[sflag:s0] =	ssyncset.done @!p0 $0x0  }
0x124: {  	[sflag:s0] =	ssyncadd.s32 @!p0 s1  }
0x125: {  	[bflag:$0x3] =	sbarrier.arrive $0xFFFF  }
0x126: {  	_ =	shalt  }

</sc_bundles>
